<compile_context>
chip_gen: v7x
topology: tpu7x:2x2x1
jax: 0.10.2.dev20260603
libtpu: 0.0.44.dev20260713+nightly
codegen_flags: <defaults>
</compile_context>

<pallas_src>
import jax
import jax.numpy as jnp
from jax import lax
from jax.experimental import pallas as pl
from jax.experimental.pallas import tpu as pltpu
from jax.experimental.pallas import tpu_sc as plsc

_B = 4096
_S = 4096
_F = 2
_T = 64
_D_OUT = 1

_NC = 1
_NS = 16
_NW = _NC * _NS
_BPW = _B // _NW
_L = 16
_G = 128
_NG = _BPW // _G


def _sc_body(x_ref, inds_ref, tok_ref, w_ref,
             out_ref,
             idx0_v, idx1_v, idxt_v,
             c0_v, c1_v, out_v,
             inds_v, w_v, tsel_v, sem, sem2):
    wid = lax.axis_index("s") * _NC + lax.axis_index("c")
    base = wid * _BPW
    lane = jnp.arange(_L, dtype=jnp.int32)

    ci = pltpu.async_copy(inds_ref, inds_v, sem2)
    cw = pltpu.async_copy(w_ref, w_v, sem2)

    off0 = (_S // 128 - 1) * 256 + 127
    for r in range(_NG):
        for j in range(_G // _L):
            bvec = base + r * _G + j * _L + lane
            i0 = bvec * (_S * _F) + off0
            idx0_v[r, pl.ds(j * _L, _L)] = i0
            idx1_v[r, pl.ds(j * _L, _L)] = i0 + 128

    cps = []
    for r in range(_NG):
        cps.append(pltpu.async_copy(x_ref.at[idx0_v.at[r]], c0_v.at[r], sem))
        cps.append(pltpu.async_copy(x_ref.at[idx1_v.at[r]], c1_v.at[r], sem))
    ci.wait()
    cw.wait()

    onei = jnp.zeros((_L,), dtype=jnp.int32) + 1
    tsel_v[...] = jnp.full((_L,), -1, dtype=jnp.int32)
    for j in range(_T // _L):
        v = inds_v[pl.ds(j * _L, _L)]
        plsc.store_scatter(tsel_v, [onei], lane + j * _L, mask=v == _S - 1)
    tvec = plsc.load_gather(tsel_v, [onei])
    t_clamped = jnp.maximum(tvec, 0)

    for cp in cps:
        cp.wait()

    @pl.when(jnp.max(tvec) >= 0)
    def _hijack_last():
        tok_base = ((t_clamped >> 3) * (_B // 128 * 1024)
                    + (t_clamped & 7) * 128)
        for r in range(_NG):
            blk = (base + r * _G) // 128
            for j in range(_G // _L):
                idxt_v[r, pl.ds(j * _L, _L)] = (tok_base + blk * 1024
                                                + j * _L + lane)
        tps = [pltpu.async_copy(tok_ref.at[idxt_v.at[r]], c1_v.at[r], sem)
               for r in range(_NG)]
        for tp in tps:
            tp.wait()

    w00 = w_v[pl.ds(0, _L)]
    w10 = w_v[pl.ds(_L, _L)]
    for r in range(_NG):
        for j in range(_G // _L):
            sl = pl.ds(j * _L, _L)
            out_v[pl.ds(r * _G + j * _L, _L)] = c0_v[r, sl] * w00 + c1_v[r, sl] * w10

    pltpu.sync_copy(out_v, out_ref.at[pl.ds(base, _BPW)])


def kernel(x, inds, tokens, W):
    xf = (x.reshape(_B, _S // 128, 128, _F)
           .transpose(0, 1, 3, 2)
           .reshape(_B * _S * _F))
    tokf = (tokens.T.reshape(_T // 8, 8, _B // 128, 128)
                  .transpose(0, 2, 1, 3)
                  .reshape(_B * _T))
    indsf = inds.reshape(_T).astype(jnp.int32)
    wrep = jnp.repeat(W.reshape(_F), _L)

    out = pl.kernel(
        _sc_body,
        out_type=jax.ShapeDtypeStruct((_B,), jnp.float32),
        mesh=plsc.VectorSubcoreMesh(core_axis_name="c", subcore_axis_name="s",
                                    num_cores=_NC),
        compiler_params=pltpu.CompilerParams(needs_layout_passes=False),
        scratch_types=[
            pltpu.VMEM((_NG, _G), jnp.int32),
            pltpu.VMEM((_NG, _G), jnp.int32),
            pltpu.VMEM((_NG, _G), jnp.int32),
            pltpu.VMEM((_NG, _G), jnp.float32),
            pltpu.VMEM((_NG, _G), jnp.float32),
            pltpu.VMEM((_BPW,), jnp.float32),
            pltpu.VMEM((_T,), jnp.int32),
            pltpu.VMEM((2 * _L,), jnp.float32),
            pltpu.VMEM((_L,), jnp.int32),
            pltpu.SemaphoreType.DMA,
            pltpu.SemaphoreType.DMA,
        ],
    )(xf, indsf, tokf, wrep)
    return out.reshape(_B, _D_OUT)

# --- scband reference (transcript-rebuilt; emitter-appended) ---
"""Pipeline reference for scband-hijack-90331752169768 (READ-ONLY COPY).

The authoritative reference and input builder live on the scoring server;
editing this copy changes nothing except your own understanding.
"""

import jax, jax.numpy as jnp
import numpy as np

B = 4096
S = 4096
F = 2
T = 64
D_OUT = 1

def setup_inputs(seed: int = 0) -> dict:
    key = jax.random.key(seed)
    k1, k2, k3, k4 = jax.random.split(key, 4)
    x = jax.random.normal(k1, (B, S, F), dtype=jnp.float32)
    inds = jax.random.randint(k2, (T,), 0, 4095, dtype=jnp.int64)
    tokens = jax.random.uniform(k3, (B, T), dtype=jnp.float32)
    # Stand-in for self.model: linear readout over the feature dim, read_y takes last position.
    # (The torch module's self.model is injected at train() time; we materialize an equivalent
    #  learned parameter W here so forward is executable.)
    W = jax.random.normal(k4, (F, D_OUT), dtype=jnp.float32) * 0.1
    return {"x": x, "inds": inds, "tokens": tokens, "W": W}

def reference(x, inds, tokens, W):
    # x[:, inds, 1] = tokens  (scatter-overwrite of hijacked token channel)
    x = x.at[:, inds, 1].set(tokens)
    # out = self.model(x)  -> linear map over feature dim
    out = jnp.einsum('bsf,fd->bsd', x, W)
    # out = self.model.read_y(out) -> read prediction at last sequence position
    out = out[:, -1, :]
    return out

if __name__ == "__main__":
    import jax
    _d = setup_inputs()
    print(jax.jit(kernel)(*tuple(_d.values())))

</pallas_src>

<mosaic_0001>
#map = affine_map<(d0, d1) -> (0)>
module attributes {stable_mosaic.version = 14 : i64} {
  func.func @_sc_body(%arg0: i32, %arg1: i32, %arg2: memref<33554432xf32, #tpu.memory_space<hbm>>, %arg3: memref<64xi32, #tpu.memory_space<hbm>>, %arg4: memref<262144xf32, #tpu.memory_space<hbm>>, %arg5: memref<32xf32, #tpu.memory_space<hbm>>, %arg6: memref<4096xf32, #tpu.memory_space<hbm>>, %arg7: memref<2x128xi32, #tpu.memory_space<vmem>>, %arg8: memref<2x128xi32, #tpu.memory_space<vmem>>, %arg9: memref<2x128xi32, #tpu.memory_space<vmem>>, %arg10: memref<2x128xf32, #tpu.memory_space<vmem>>, %arg11: memref<2x128xf32, #tpu.memory_space<vmem>>, %arg12: memref<256xf32, #tpu.memory_space<vmem>>, %arg13: memref<64xi32, #tpu.memory_space<vmem>>, %arg14: memref<32xf32, #tpu.memory_space<vmem>>, %arg15: memref<16xi32, #tpu.memory_space<vmem>>, %arg16: memref<!tpu.dma_semaphore, #tpu.memory_space<semaphore_mem>>, %arg17: memref<!tpu.dma_semaphore, #tpu.memory_space<semaphore_mem>>) attributes {dimension_semantics = [#tpu.dimension_semantics<core_parallel>, #tpu.dimension_semantics<subcore_parallel>], iteration_bounds = array<i64: 1, 16>, scalar_prefetch = 0 : i64, scratch_operands = 11 : i64, tpu.core_type = #tpu.core_type<sc_vector_subcore>, window_params = [{transform_indices = #map}, {transform_indices = #map}, {transform_indices = #map}, {transform_indices = #map}, {transform_indices = #map}]} {
    %mul3A = arith.constant 1 : i32
    %mul3A_0 = arith.muli %arg1, %mul3A : i32
    %add3A = arith.addi %mul3A_0, %arg0 : i32
    %mul3A_1 = arith.constant 256 : i32
    %mul3A_2 = arith.muli %add3A, %mul3A_1 : i32
    %iota3A = tpu.iota {dimensions = array<i32: 0>} : vector<16xi32>
    tpu.enqueue_dma source(%arg3 : memref<64xi32, #tpu.memory_space<hbm>>) target(%arg13 : memref<64xi32, #tpu.memory_space<vmem>>) target_semaphore(%arg17 : memref<!tpu.dma_semaphore, #tpu.memory_space<semaphore_mem>>)
    tpu.enqueue_dma source(%arg5 : memref<32xf32, #tpu.memory_space<hbm>>) target(%arg14 : memref<32xf32, #tpu.memory_space<vmem>>) target_semaphore(%arg17 : memref<!tpu.dma_semaphore, #tpu.memory_space<semaphore_mem>>)
    %add3A_3 = arith.constant 0 : i32
    %add3A_4 = arith.addi %mul3A_2, %add3A_3 : i32
    %add3A_5 = arith.constant 0 : i32
    %add3A_6 = arith.addi %add3A_4, %add3A_5 : i32
    %add3A_7 = vector.broadcast %add3A_6 : i32 to vector<16xi32>
    %add3A_8 = arith.addi %add3A_7, %iota3A : vector<16xi32>
    %mul3A_9 = arith.constant 8192 : i32
    %mul3A_10 = vector.broadcast %mul3A_9 : i32 to vector<16xi32>
    %mul3A_11 = arith.muli %add3A_8, %mul3A_10 : vector<16xi32>
    %add3A_12 = arith.constant 8063 : i32
    %add3A_13 = vector.broadcast %add3A_12 : i32 to vector<16xi32>
    %add3A_14 = arith.addi %mul3A_11, %add3A_13 : vector<16xi32>
    %swap3A = arith.constant 0 : i32
    %swap3A_15 = arith.index_cast %swap3A : i32 to index
    %swap3A_16 = arith.constant 0 : index
    %swap3A_17 = tpu.vector_load %arg7[%swap3A_15, %swap3A_16] {strides = array<i32>} : memref<2x128xi32, #tpu.memory_space<vmem>>, vector<16xi32>,
    tpu.vector_store %arg7[%swap3A_15, %swap3A_16], %add3A_14 {strides = array<i32>} : memref<2x128xi32, #tpu.memory_space<vmem>>, vector<16xi32>,
    %add3A_18 = arith.constant 128 : i32
    %add3A_19 = vector.broadcast %add3A_18 : i32 to vector<16xi32>
    %add3A_20 = arith.addi %add3A_14, %add3A_19 : vector<16xi32>
    %swap3A_21 = arith.constant 0 : i32
    %swap3A_22 = arith.index_cast %swap3A_21 : i32 to index
    %swap3A_23 = arith.constant 0 : index
    %swap3A_24 = tpu.vector_load %arg8[%swap3A_22, %swap3A_23] {strides = array<i32>} : memref<2x128xi32, #tpu.memory_space<vmem>>, vector<16xi32>,
    tpu.vector_store %arg8[%swap3A_22, %swap3A_23], %add3A_20 {strides = array<i32>} : memref<2x128xi32, #tpu.memory_space<vmem>>, vector<16xi32>,
    %add3A_25 = arith.constant 0 : i32
    %add3A_26 = arith.addi %mul3A_2, %add3A_25 : i32
    %add3A_27 = arith.constant 16 : i32
    %add3A_28 = arith.addi %add3A_26, %add3A_27 : i32
    %add3A_29 = vector.broadcast %add3A_28 : i32 to vector<16xi32>
    %add3A_30 = arith.addi %add3A_29, %iota3A : vector<16xi32>
    %mul3A_31 = arith.constant 8192 : i32
    %mul3A_32 = vector.broadcast %mul3A_31 : i32 to vector<16xi32>
    %mul3A_33 = arith.muli %add3A_30, %mul3A_32 : vector<16xi32>
    %add3A_34 = arith.constant 8063 : i32
    %add3A_35 = vector.broadcast %add3A_34 : i32 to vector<16xi32>
    %add3A_36 = arith.addi %mul3A_33, %add3A_35 : vector<16xi32>
    %swap3A_37 = arith.constant 0 : i32
    %swap3A_38 = arith.index_cast %swap3A_37 : i32 to index
    %swap3A_39 = arith.constant 16 : index
    %swap3A_40 = tpu.vector_load %arg7[%swap3A_38, %swap3A_39] {strides = array<i32>} : memref<2x128xi32, #tpu.memory_space<vmem>>, vector<16xi32>,
    tpu.vector_store %arg7[%swap3A_38, %swap3A_39], %add3A_36 {strides = array<i32>} : memref<2x128xi32, #tpu.memory_space<vmem>>, vector<16xi32>,
    %add3A_41 = arith.constant 128 : i32
    %add3A_42 = vector.broadcast %add3A_41 : i32 to vector<16xi32>
    %add3A_43 = arith.addi %add3A_36, %add3A_42 : vector<16xi32>
    %swap3A_44 = arith.constant 0 : i32
    %swap3A_45 = arith.index_cast %swap3A_44 : i32 to index
    %swap3A_46 = arith.constant 16 : index
    %swap3A_47 = tpu.vector_load %arg8[%swap3A_45, %swap3A_46] {strides = array<i32>} : memref<2x128xi32, #tpu.memory_space<vmem>>, vector<16xi32>,
    tpu.vector_store %arg8[%swap3A_45, %swap3A_46], %add3A_43 {strides = array<i32>} : memref<2x128xi32, #tpu.memory_space<vmem>>, vector<16xi32>,
    %add3A_48 = arith.constant 0 : i32
    %add3A_49 = arith.addi %mul3A_2, %add3A_48 : i32
    %add3A_50 = arith.constant 32 : i32
    %add3A_51 = arith.addi %add3A_49, %add3A_50 : i32
    %add3A_52 = vector.broadcast %add3A_51 : i32 to vector<16xi32>
    %add3A_53 = arith.addi %add3A_52, %iota3A : vector<16xi32>
    %mul3A_54 = arith.constant 8192 : i32
    %mul3A_55 = vector.broadcast %mul3A_54 : i32 to vector<16xi32>
    %mul3A_56 = arith.muli %add3A_53, %mul3A_55 : vector<16xi32>
    %add3A_57 = arith.constant 8063 : i32
    %add3A_58 = vector.broadcast %add3A_57 : i32 to vector<16xi32>
    %add3A_59 = arith.addi %mul3A_56, %add3A_58 : vector<16xi32>
    %swap3A_60 = arith.constant 0 : i32
    %swap3A_61 = arith.index_cast %swap3A_60 : i32 to index
    %swap3A_62 = arith.constant 32 : index
    %swap3A_63 = tpu.vector_load %arg7[%swap3A_61, %swap3A_62] {strides = array<i32>} : memref<2x128xi32, #tpu.memory_space<vmem>>, vector<16xi32>,
    tpu.vector_store %arg7[%swap3A_61, %swap3A_62], %add3A_59 {strides = array<i32>} : memref<2x128xi32, #tpu.memory_space<vmem>>, vector<16xi32>,
    %add3A_64 = arith.constant 128 : i32
    %add3A_65 = vector.broadcast %add3A_64 : i32 to vector<16xi32>
    %add3A_66 = arith.addi %add3A_59, %add3A_65 : vector<16xi32>
    %swap3A_67 = arith.constant 0 : i32
    %swap3A_68 = arith.index_cast %swap3A_67 : i32 to index
    %swap3A_69 = arith.constant 32 : index
    %swap3A_70 = tpu.vector_load %arg8[%swap3A_68, %swap3A_69] {strides = array<i32>} : memref<2x128xi32, #tpu.memory_space<vmem>>, vector<16xi32>,
    tpu.vector_store %arg8[%swap3A_68, %swap3A_69], %add3A_66 {strides = array<i32>} : memref<2x128xi32, #tpu.memory_space<vmem>>, vector<16xi32>,
    %add3A_71 = arith.constant 0 : i32
    %add3A_72 = arith.addi %mul3A_2, %add3A_71 : i32
    %add3A_73 = arith.constant 48 : i32
    %add3A_74 = arith.addi %add3A_72, %add3A_73 : i32
    %add3A_75 = vector.broadcast %add3A_74 : i32 to vector<16xi32>
    %add3A_76 = arith.addi %add3A_75, %iota3A : vector<16xi32>
    %mul3A_77 = arith.constant 8192 : i32
    %mul3A_78 = vector.broadcast %mul3A_77 : i32 to vector<16xi32>
    %mul3A_79 = arith.muli %add3A_76, %mul3A_78 : vector<16xi32>
    %add3A_80 = arith.constant 8063 : i32
    %add3A_81 = vector.broadcast %add3A_80 : i32 to vector<16xi32>
    %add3A_82 = arith.addi %mul3A_79, %add3A_81 : vector<16xi32>
    %swap3A_83 = arith.constant 0 : i32
    %swap3A_84 = arith.index_cast %swap3A_83 : i32 to index
    %swap3A_85 = arith.constant 48 : index
    %swap3A_86 = tpu.vector_load %arg7[%swap3A_84, %swap3A_85] {strides = array<i32>} : memref<2x128xi32, #tpu.memory_space<vmem>>, vector<16xi32>,
    tpu.vector_store %arg7[%swap3A_84, %swap3A_85], %add3A_82 {strides = array<i32>} : memref<2x128xi32, #tpu.memory_space<vmem>>, vector<16xi32>,
    %add3A_87 = arith.constant 128 : i32
    %add3A_88 = vector.broadcast %add3A_87 : i32 to vector<16xi32>
    %add3A_89 = arith.addi %add3A_82, %add3A_88 : vector<16xi32>
    %swap3A_90 = arith.constant 0 : i32
    %swap3A_91 = arith.index_cast %swap3A_90 : i32 to index
    %swap3A_92 = arith.constant 48 : index
    %swap3A_93 = tpu.vector_load %arg8[%swap3A_91, %swap3A_92] {strides = array<i32>} : memref<2x128xi32, #tpu.memory_space<vmem>>, vector<16xi32>,
    tpu.vector_store %arg8[%swap3A_91, %swap3A_92], %add3A_89 {strides = array<i32>} : memref<2x128xi32, #tpu.memory_space<vmem>>, vector<16xi32>,
    %add3A_94 = arith.constant 0 : i32
    %add3A_95 = arith.addi %mul3A_2, %add3A_94 : i32
    %add3A_96 = arith.constant 64 : i32
    %add3A_97 = arith.addi %add3A_95, %add3A_96 : i32
    %add3A_98 = vector.broadcast %add3A_97 : i32 to vector<16xi32>
    %add3A_99 = arith.addi %add3A_98, %iota3A : vector<16xi32>
    %mul3A_100 = arith.constant 8192 : i32
    %mul3A_101 = vector.broadcast %mul3A_100 : i32 to vector<16xi32>
    %mul3A_102 = arith.muli %add3A_99, %mul3A_101 : vector<16xi32>
    %add3A_103 = arith.constant 8063 : i32
    %add3A_104 = vector.broadcast %add3A_103 : i32 to vector<16xi32>
    %add3A_105 = arith.addi %mul3A_102, %add3A_104 : vector<16xi32>
    %swap3A_106 = arith.constant 0 : i32
    %swap3A_107 = arith.index_cast %swap3A_106 : i32 to index
    %swap3A_108 = arith.constant 64 : index
    %swap3A_109 = tpu.vector_load %arg7[%swap3A_107, %swap3A_108] {strides = array<i32>} : memref<2x128xi32, #tpu.memory_space<vmem>>, vector<16xi32>,
    tpu.vector_store %arg7[%swap3A_107, %swap3A_108], %add3A_105 {strides = array<i32>} : memref<2x128xi32, #tpu.memory_space<vmem>>, vector<16xi32>,
    %add3A_110 = arith.constant 128 : i32
    %add3A_111 = vector.broadcast %add3A_110 : i32 to vector<16xi32>
    %add3A_112 = arith.addi %add3A_105, %add3A_111 : vector<16xi32>
    %swap3A_113 = arith.constant 0 : i32
    %swap3A_114 = arith.index_cast %swap3A_113 : i32 to index
    %swap3A_115 = arith.constant 64 : index
    %swap3A_116 = tpu.vector_load %arg8[%swap3A_114, %swap3A_115] {strides = array<i32>} : memref<2x128xi32, #tpu.memory_space<vmem>>, vector<16xi32>,
    tpu.vector_store %arg8[%swap3A_114, %swap3A_115], %add3A_112 {strides = array<i32>} : memref<2x128xi32, #tpu.memory_space<vmem>>, vector<16xi32>,
    %add3A_117 = arith.constant 0 : i32
    %add3A_118 = arith.addi %mul3A_2, %add3A_117 : i32
    %add3A_119 = arith.constant 80 : i32
    %add3A_120 = arith.addi %add3A_118, %add3A_119 : i32
    %add3A_121 = vector.broadcast %add3A_120 : i32 to vector<16xi32>
    %add3A_122 = arith.addi %add3A_121, %iota3A : vector<16xi32>
    %mul3A_123 = arith.constant 8192 : i32
    %mul3A_124 = vector.broadcast %mul3A_123 : i32 to vector<16xi32>
    %mul3A_125 = arith.muli %add3A_122, %mul3A_124 : vector<16xi32>
    %add3A_126 = arith.constant 8063 : i32
    %add3A_127 = vector.broadcast %add3A_126 : i32 to vector<16xi32>
    %add3A_128 = arith.addi %mul3A_125, %add3A_127 : vector<16xi32>
    %swap3A_129 = arith.constant 0 : i32
    %swap3A_130 = arith.index_cast %swap3A_129 : i32 to index
    %swap3A_131 = arith.constant 80 : index
    %swap3A_132 = tpu.vector_load %arg7[%swap3A_130, %swap3A_131] {strides = array<i32>} : memref<2x128xi32, #tpu.memory_space<vmem>>, vector<16xi32>,
    tpu.vector_store %arg7[%swap3A_130, %swap3A_131], %add3A_128 {strides = array<i32>} : memref<2x128xi32, #tpu.memory_space<vmem>>, vector<16xi32>,
    %add3A_133 = arith.constant 128 : i32
    %add3A_134 = vector.broadcast %add3A_133 : i32 to vector<16xi32>
    %add3A_135 = arith.addi %add3A_128, %add3A_134 : vector<16xi32>
    %swap3A_136 = arith.constant 0 : i32
    %swap3A_137 = arith.index_cast %swap3A_136 : i32 to index
    %swap3A_138 = arith.constant 80 : index
    %swap3A_139 = tpu.vector_load %arg8[%swap3A_137, %swap3A_138] {strides = array<i32>} : memref<2x128xi32, #tpu.memory_space<vmem>>, vector<16xi32>,
    tpu.vector_store %arg8[%swap3A_137, %swap3A_138], %add3A_135 {strides = array<i32>} : memref<2x128xi32, #tpu.memory_space<vmem>>, vector<16xi32>,
    %add3A_140 = arith.constant 0 : i32
    %add3A_141 = arith.addi %mul3A_2, %add3A_140 : i32
    %add3A_142 = arith.constant 96 : i32
    %add3A_143 = arith.addi %add3A_141, %add3A_142 : i32
    %add3A_144 = vector.broadcast %add3A_143 : i32 to vector<16xi32>
    %add3A_145 = arith.addi %add3A_144, %iota3A : vector<16xi32>
    %mul3A_146 = arith.constant 8192 : i32
    %mul3A_147 = vector.broadcast %mul3A_146 : i32 to vector<16xi32>
    %mul3A_148 = arith.muli %add3A_145, %mul3A_147 : vector<16xi32>
    %add3A_149 = arith.constant 8063 : i32
    %add3A_150 = vector.broadcast %add3A_149 : i32 to vector<16xi32>
    %add3A_151 = arith.addi %mul3A_148, %add3A_150 : vector<16xi32>
    %swap3A_152 = arith.constant 0 : i32
    %swap3A_153 = arith.index_cast %swap3A_152 : i32 to index
    %swap3A_154 = arith.constant 96 : index
    %swap3A_155 = tpu.vector_load %arg7[%swap3A_153, %swap3A_154] {strides = array<i32>} : memref<2x128xi32, #tpu.memory_space<vmem>>, vector<16xi32>,
    tpu.vector_store %arg7[%swap3A_153, %swap3A_154], %add3A_151 {strides = array<i32>} : memref<2x128xi32, #tpu.memory_space<vmem>>, vector<16xi32>,
    %add3A_156 = arith.constant 128 : i32
    %add3A_157 = vector.broadcast %add3A_156 : i32 to vector<16xi32>
    %add3A_158 = arith.addi %add3A_151, %add3A_157 : vector<16xi32>
    %swap3A_159 = arith.constant 0 : i32
    %swap3A_160 = arith.index_cast %swap3A_159 : i32 to index
    %swap3A_161 = arith.constant 96 : index
    %swap3A_162 = tpu.vector_load %arg8[%swap3A_160, %swap3A_161] {strides = array<i32>} : memref<2x128xi32, #tpu.memory_space<vmem>>, vector<16xi32>,
    tpu.vector_store %arg8[%swap3A_160, %swap3A_161], %add3A_158 {strides = array<i32>} : memref<2x128xi32, #tpu.memory_space<vmem>>, vector<16xi32>,
    %add3A_163 = arith.constant 0 : i32
    %add3A_164 = arith.addi %mul3A_2, %add3A_163 : i32
    %add3A_165 = arith.constant 112 : i32
    %add3A_166 = arith.addi %add3A_164, %add3A_165 : i32
    %add3A_167 = vector.broadcast %add3A_166 : i32 to vector<16xi32>
    %add3A_168 = arith.addi %add3A_167, %iota3A : vector<16xi32>
    %mul3A_169 = arith.constant 8192 : i32
    %mul3A_170 = vector.broadcast %mul3A_169 : i32 to vector<16xi32>
    %mul3A_171 = arith.muli %add3A_168, %mul3A_170 : vector<16xi32>
    %add3A_172 = arith.constant 8063 : i32
    %add3A_173 = vector.broadcast %add3A_172 : i32 to vector<16xi32>
    %add3A_174 = arith.addi %mul3A_171, %add3A_173 : vector<16xi32>
    %swap3A_175 = arith.constant 0 : i32
    %swap3A_176 = arith.index_cast %swap3A_175 : i32 to index
    %swap3A_177 = arith.constant 112 : index
    %swap3A_178 = tpu.vector_load %arg7[%swap3A_176, %swap3A_177] {strides = array<i32>} : memref<2x128xi32, #tpu.memory_space<vmem>>, vector<16xi32>,
    tpu.vector_store %arg7[%swap3A_176, %swap3A_177], %add3A_174 {strides = array<i32>} : memref<2x128xi32, #tpu.memory_space<vmem>>, vector<16xi32>,
    %add3A_179 = arith.constant 128 : i32
    %add3A_180 = vector.broadcast %add3A_179 : i32 to vector<16xi32>
    %add3A_181 = arith.addi %add3A_174, %add3A_180 : vector<16xi32>
    %swap3A_182 = arith.constant 0 : i32
    %swap3A_183 = arith.index_cast %swap3A_182 : i32 to index
    %swap3A_184 = arith.constant 112 : index
    %swap3A_185 = tpu.vector_load %arg8[%swap3A_183, %swap3A_184] {strides = array<i32>} : memref<2x128xi32, #tpu.memory_space<vmem>>, vector<16xi32>,
    tpu.vector_store %arg8[%swap3A_183, %swap3A_184], %add3A_181 {strides = array<i32>} : memref<2x128xi32, #tpu.memory_space<vmem>>, vector<16xi32>,
    %add3A_186 = arith.constant 128 : i32
    %add3A_187 = arith.addi %mul3A_2, %add3A_186 : i32
    %add3A_188 = arith.constant 0 : i32
    %add3A_189 = arith.addi %add3A_187, %add3A_188 : i32
    %add3A_190 = vector.broadcast %add3A_189 : i32 to vector<16xi32>
    %add3A_191 = arith.addi %add3A_190, %iota3A : vector<16xi32>
    %mul3A_192 = arith.constant 8192 : i32
    %mul3A_193 = vector.broadcast %mul3A_192 : i32 to vector<16xi32>
    %mul3A_194 = arith.muli %add3A_191, %mul3A_193 : vector<16xi32>
    %add3A_195 = arith.constant 8063 : i32
    %add3A_196 = vector.broadcast %add3A_195 : i32 to vector<16xi32>
    %add3A_197 = arith.addi %mul3A_194, %add3A_196 : vector<16xi32>
    %swap3A_198 = arith.constant 1 : i32
    %swap3A_199 = arith.index_cast %swap3A_198 : i32 to index
    %swap3A_200 = arith.constant 0 : index
    %swap3A_201 = tpu.vector_load %arg7[%swap3A_199, %swap3A_200] {strides = array<i32>} : memref<2x128xi32, #tpu.memory_space<vmem>>, vector<16xi32>,
    tpu.vector_store %arg7[%swap3A_199, %swap3A_200], %add3A_197 {strides = array<i32>} : memref<2x128xi32, #tpu.memory_space<vmem>>, vector<16xi32>,
    %add3A_202 = arith.constant 128 : i32
    %add3A_203 = vector.broadcast %add3A_202 : i32 to vector<16xi32>
    %add3A_204 = arith.addi %add3A_197, %add3A_203 : vector<16xi32>
    %swap3A_205 = arith.constant 1 : i32
    %swap3A_206 = arith.index_cast %swap3A_205 : i32 to index
    %swap3A_207 = arith.constant 0 : index
    %swap3A_208 = tpu.vector_load %arg8[%swap3A_206, %swap3A_207] {strides = array<i32>} : memref<2x128xi32, #tpu.memory_space<vmem>>, vector<16xi32>,
    tpu.vector_store %arg8[%swap3A_206, %swap3A_207], %add3A_204 {strides = array<i32>} : memref<2x128xi32, #tpu.memory_space<vmem>>, vector<16xi32>,
    %add3A_209 = arith.constant 128 : i32
    %add3A_210 = arith.addi %mul3A_2, %add3A_209 : i32
    %add3A_211 = arith.constant 16 : i32
    %add3A_212 = arith.addi %add3A_210, %add3A_211 : i32
    %add3A_213 = vector.broadcast %add3A_212 : i32 to vector<16xi32>
    %add3A_214 = arith.addi %add3A_213, %iota3A : vector<16xi32>
    %mul3A_215 = arith.constant 8192 : i32
    %mul3A_216 = vector.broadcast %mul3A_215 : i32 to vector<16xi32>
    %mul3A_217 = arith.muli %add3A_214, %mul3A_216 : vector<16xi32>
    %add3A_218 = arith.constant 8063 : i32
    %add3A_219 = vector.broadcast %add3A_218 : i32 to vector<16xi32>
    %add3A_220 = arith.addi %mul3A_217, %add3A_219 : vector<16xi32>
    %swap3A_221 = arith.constant 1 : i32
    %swap3A_222 = arith.index_cast %swap3A_221 : i32 to index
    %swap3A_223 = arith.constant 16 : index
    %swap3A_224 = tpu.vector_load %arg7[%swap3A_222, %swap3A_223] {strides = array<i32>} : memref<2x128xi32, #tpu.memory_space<vmem>>, vector<16xi32>,
    tpu.vector_store %arg7[%swap3A_222, %swap3A_223], %add3A_220 {strides = array<i32>} : memref<2x128xi32, #tpu.memory_space<vmem>>, vector<16xi32>,
    %add3A_225 = arith.constant 128 : i32
    %add3A_226 = vector.broadcast %add3A_225 : i32 to vector<16xi32>
    %add3A_227 = arith.addi %add3A_220, %add3A_226 : vector<16xi32>
    %swap3A_228 = arith.constant 1 : i32
    %swap3A_229 = arith.index_cast %swap3A_228 : i32 to index
    %swap3A_230 = arith.constant 16 : index
    %swap3A_231 = tpu.vector_load %arg8[%swap3A_229, %swap3A_230] {strides = array<i32>} : memref<2x128xi32, #tpu.memory_space<vmem>>, vector<16xi32>,
    tpu.vector_store %arg8[%swap3A_229, %swap3A_230], %add3A_227 {strides = array<i32>} : memref<2x128xi32, #tpu.memory_space<vmem>>, vector<16xi32>,
    %add3A_232 = arith.constant 128 : i32
    %add3A_233 = arith.addi %mul3A_2, %add3A_232 : i32
    %add3A_234 = arith.constant 32 : i32
    %add3A_235 = arith.addi %add3A_233, %add3A_234 : i32
    %add3A_236 = vector.broadcast %add3A_235 : i32 to vector<16xi32>
    %add3A_237 = arith.addi %add3A_236, %iota3A : vector<16xi32>
    %mul3A_238 = arith.constant 8192 : i32
    %mul3A_239 = vector.broadcast %mul3A_238 : i32 to vector<16xi32>
    %mul3A_240 = arith.muli %add3A_237, %mul3A_239 : vector<16xi32>
    %add3A_241 = arith.constant 8063 : i32
    %add3A_242 = vector.broadcast %add3A_241 : i32 to vector<16xi32>
    %add3A_243 = arith.addi %mul3A_240, %add3A_242 : vector<16xi32>
    %swap3A_244 = arith.constant 1 : i32
    %swap3A_245 = arith.index_cast %swap3A_244 : i32 to index
    %swap3A_246 = arith.constant 32 : index
    %swap3A_247 = tpu.vector_load %arg7[%swap3A_245, %swap3A_246] {strides = array<i32>} : memref<2x128xi32, #tpu.memory_space<vmem>>, vector<16xi32>,
    tpu.vector_store %arg7[%swap3A_245, %swap3A_246], %add3A_243 {strides = array<i32>} : memref<2x128xi32, #tpu.memory_space<vmem>>, vector<16xi32>,
    %add3A_248 = arith.constant 128 : i32
    %add3A_249 = vector.broadcast %add3A_248 : i32 to vector<16xi32>
    %add3A_250 = arith.addi %add3A_243, %add3A_249 : vector<16xi32>
    %swap3A_251 = arith.constant 1 : i32
    %swap3A_252 = arith.index_cast %swap3A_251 : i32 to index
    %swap3A_253 = arith.constant 32 : index
    %swap3A_254 = tpu.vector_load %arg8[%swap3A_252, %swap3A_253] {strides = array<i32>} : memref<2x128xi32, #tpu.memory_space<vmem>>, vector<16xi32>,
    tpu.vector_store %arg8[%swap3A_252, %swap3A_253], %add3A_250 {strides = array<i32>} : memref<2x128xi32, #tpu.memory_space<vmem>>, vector<16xi32>,
    %add3A_255 = arith.constant 128 : i32
    %add3A_256 = arith.addi %mul3A_2, %add3A_255 : i32
    %add3A_257 = arith.constant 48 : i32
    %add3A_258 = arith.addi %add3A_256, %add3A_257 : i32
    %add3A_259 = vector.broadcast %add3A_258 : i32 to vector<16xi32>
    %add3A_260 = arith.addi %add3A_259, %iota3A : vector<16xi32>
    %mul3A_261 = arith.constant 8192 : i32
    %mul3A_262 = vector.broadcast %mul3A_261 : i32 to vector<16xi32>
    %mul3A_263 = arith.muli %add3A_260, %mul3A_262 : vector<16xi32>
    %add3A_264 = arith.constant 8063 : i32
    %add3A_265 = vector.broadcast %add3A_264 : i32 to vector<16xi32>
    %add3A_266 = arith.addi %mul3A_263, %add3A_265 : vector<16xi32>
    %swap3A_267 = arith.constant 1 : i32
    %swap3A_268 = arith.index_cast %swap3A_267 : i32 to index
    %swap3A_269 = arith.constant 48 : index
    %swap3A_270 = tpu.vector_load %arg7[%swap3A_268, %swap3A_269] {strides = array<i32>} : memref<2x128xi32, #tpu.memory_space<vmem>>, vector<16xi32>,
    tpu.vector_store %arg7[%swap3A_268, %swap3A_269], %add3A_266 {strides = array<i32>} : memref<2x128xi32, #tpu.memory_space<vmem>>, vector<16xi32>,
    %add3A_271 = arith.constant 128 : i32
    %add3A_272 = vector.broadcast %add3A_271 : i32 to vector<16xi32>
    %add3A_273 = arith.addi %add3A_266, %add3A_272 : vector<16xi32>
    %swap3A_274 = arith.constant 1 : i32
    %swap3A_275 = arith.index_cast %swap3A_274 : i32 to index
    %swap3A_276 = arith.constant 48 : index
    %swap3A_277 = tpu.vector_load %arg8[%swap3A_275, %swap3A_276] {strides = array<i32>} : memref<2x128xi32, #tpu.memory_space<vmem>>, vector<16xi32>,
    tpu.vector_store %arg8[%swap3A_275, %swap3A_276], %add3A_273 {strides = array<i32>} : memref<2x128xi32, #tpu.memory_space<vmem>>, vector<16xi32>,
    %add3A_278 = arith.constant 128 : i32
    %add3A_279 = arith.addi %mul3A_2, %add3A_278 : i32
    %add3A_280 = arith.constant 64 : i32
    %add3A_281 = arith.addi %add3A_279, %add3A_280 : i32
    %add3A_282 = vector.broadcast %add3A_281 : i32 to vector<16xi32>
    %add3A_283 = arith.addi %add3A_282, %iota3A : vector<16xi32>
    %mul3A_284 = arith.constant 8192 : i32
    %mul3A_285 = vector.broadcast %mul3A_284 : i32 to vector<16xi32>
    %mul3A_286 = arith.muli %add3A_283, %mul3A_285 : vector<16xi32>
    %add3A_287 = arith.constant 8063 : i32
    %add3A_288 = vector.broadcast %add3A_287 : i32 to vector<16xi32>
    %add3A_289 = arith.addi %mul3A_286, %add3A_288 : vector<16xi32>
    %swap3A_290 = arith.constant 1 : i32
    %swap3A_291 = arith.index_cast %swap3A_290 : i32 to index
    %swap3A_292 = arith.constant 64 : index
    %swap3A_293 = tpu.vector_load %arg7[%swap3A_291, %swap3A_292] {strides = array<i32>} : memref<2x128xi32, #tpu.memory_space<vmem>>, vector<16xi32>,
    tpu.vector_store %arg7[%swap3A_291, %swap3A_292], %add3A_289 {strides = array<i32>} : memref<2x128xi32, #tpu.memory_space<vmem>>, vector<16xi32>,
    %add3A_294 = arith.constant 128 : i32
    %add3A_295 = vector.broadcast %add3A_294 : i32 to vector<16xi32>
    %add3A_296 = arith.addi %add3A_289, %add3A_295 : vector<16xi32>
    %swap3A_297 = arith.constant 1 : i32
    %swap3A_298 = arith.index_cast %swap3A_297 : i32 to index
    %swap3A_299 = arith.constant 64 : index
    %swap3A_300 = tpu.vector_load %arg8[%swap3A_298, %swap3A_299] {strides = array<i32>} : memref<2x128xi32, #tpu.memory_space<vmem>>, vector<16xi32>,
    tpu.vector_store %arg8[%swap3A_298, %swap3A_299], %add3A_296 {strides = array<i32>} : memref<2x128xi32, #tpu.memory_space<vmem>>, vector<16xi32>,
    %add3A_301 = arith.constant 128 : i32
    %add3A_302 = arith.addi %mul3A_2, %add3A_301 : i32
    %add3A_303 = arith.constant 80 : i32
    %add3A_304 = arith.addi %add3A_302, %add3A_303 : i32
    %add3A_305 = vector.broadcast %add3A_304 : i32 to vector<16xi32>
    %add3A_306 = arith.addi %add3A_305, %iota3A : vector<16xi32>
    %mul3A_307 = arith.constant 8192 : i32
    %mul3A_308 = vector.broadcast %mul3A_307 : i32 to vector<16xi32>
    %mul3A_309 = arith.muli %add3A_306, %mul3A_308 : vector<16xi32>
    %add3A_310 = arith.constant 8063 : i32
    %add3A_311 = vector.broadcast %add3A_310 : i32 to vector<16xi32>
    %add3A_312 = arith.addi %mul3A_309, %add3A_311 : vector<16xi32>
    %swap3A_313 = arith.constant 1 : i32
    %swap3A_314 = arith.index_cast %swap3A_313 : i32 to index
    %swap3A_315 = arith.constant 80 : index
    %swap3A_316 = tpu.vector_load %arg7[%swap3A_314, %swap3A_315] {strides = array<i32>} : memref<2x128xi32, #tpu.memory_space<vmem>>, vector<16xi32>,
    tpu.vector_store %arg7[%swap3A_314, %swap3A_315], %add3A_312 {strides = array<i32>} : memref<2x128xi32, #tpu.memory_space<vmem>>, vector<16xi32>,
    %add3A_317 = arith.constant 128 : i32
    %add3A_318 = vector.broadcast %add3A_317 : i32 to vector<16xi32>
    %add3A_319 = arith.addi %add3A_312, %add3A_318 : vector<16xi32>
    %swap3A_320 = arith.constant 1 : i32
    %swap3A_321 = arith.index_cast %swap3A_320 : i32 to index
    %swap3A_322 = arith.constant 80 : index
    %swap3A_323 = tpu.vector_load %arg8[%swap3A_321, %swap3A_322] {strides = array<i32>} : memref<2x128xi32, #tpu.memory_space<vmem>>, vector<16xi32>,
    tpu.vector_store %arg8[%swap3A_321, %swap3A_322], %add3A_319 {strides = array<i32>} : memref<2x128xi32, #tpu.memory_space<vmem>>, vector<16xi32>,
    %add3A_324 = arith.constant 128 : i32
    %add3A_325 = arith.addi %mul3A_2, %add3A_324 : i32
    %add3A_326 = arith.constant 96 : i32
    %add3A_327 = arith.addi %add3A_325, %add3A_326 : i32
    %add3A_328 = vector.broadcast %add3A_327 : i32 to vector<16xi32>
    %add3A_329 = arith.addi %add3A_328, %iota3A : vector<16xi32>
    %mul3A_330 = arith.constant 8192 : i32
    %mul3A_331 = vector.broadcast %mul3A_330 : i32 to vector<16xi32>
    %mul3A_332 = arith.muli %add3A_329, %mul3A_331 : vector<16xi32>
    %add3A_333 = arith.constant 8063 : i32
    %add3A_334 = vector.broadcast %add3A_333 : i32 to vector<16xi32>
    %add3A_335 = arith.addi %mul3A_332, %add3A_334 : vector<16xi32>
    %swap3A_336 = arith.constant 1 : i32
    %swap3A_337 = arith.index_cast %swap3A_336 : i32 to index
    %swap3A_338 = arith.constant 96 : index
    %swap3A_339 = tpu.vector_load %arg7[%swap3A_337, %swap3A_338] {strides = array<i32>} : memref<2x128xi32, #tpu.memory_space<vmem>>, vector<16xi32>,
    tpu.vector_store %arg7[%swap3A_337, %swap3A_338], %add3A_335 {strides = array<i32>} : memref<2x128xi32, #tpu.memory_space<vmem>>, vector<16xi32>,
    %add3A_340 = arith.constant 128 : i32
    %add3A_341 = vector.broadcast %add3A_340 : i32 to vector<16xi32>
    %add3A_342 = arith.addi %add3A_335, %add3A_341 : vector<16xi32>
    %swap3A_343 = arith.constant 1 : i32
    %swap3A_344 = arith.index_cast %swap3A_343 : i32 to index
    %swap3A_345 = arith.constant 96 : index
    %swap3A_346 = tpu.vector_load %arg8[%swap3A_344, %swap3A_345] {strides = array<i32>} : memref<2x128xi32, #tpu.memory_space<vmem>>, vector<16xi32>,
    tpu.vector_store %arg8[%swap3A_344, %swap3A_345], %add3A_342 {strides = array<i32>} : memref<2x128xi32, #tpu.memory_space<vmem>>, vector<16xi32>,
    %add3A_347 = arith.constant 128 : i32
    %add3A_348 = arith.addi %mul3A_2, %add3A_347 : i32
    %add3A_349 = arith.constant 112 : i32
    %add3A_350 = arith.addi %add3A_348, %add3A_349 : i32
    %add3A_351 = vector.broadcast %add3A_350 : i32 to vector<16xi32>
    %add3A_352 = arith.addi %add3A_351, %iota3A : vector<16xi32>
    %mul3A_353 = arith.constant 8192 : i32
    %mul3A_354 = vector.broadcast %mul3A_353 : i32 to vector<16xi32>
    %mul3A_355 = arith.muli %add3A_352, %mul3A_354 : vector<16xi32>
    %add3A_356 = arith.constant 8063 : i32
    %add3A_357 = vector.broadcast %add3A_356 : i32 to vector<16xi32>
    %add3A_358 = arith.addi %mul3A_355, %add3A_357 : vector<16xi32>
    %swap3A_359 = arith.constant 1 : i32
    %swap3A_360 = arith.index_cast %swap3A_359 : i32 to index
    %swap3A_361 = arith.constant 112 : index
    %swap3A_362 = tpu.vector_load %arg7[%swap3A_360, %swap3A_361] {strides = array<i32>} : memref<2x128xi32, #tpu.memory_space<vmem>>, vector<16xi32>,
    tpu.vector_store %arg7[%swap3A_360, %swap3A_361], %add3A_358 {strides = array<i32>} : memref<2x128xi32, #tpu.memory_space<vmem>>, vector<16xi32>,
    %add3A_363 = arith.constant 128 : i32
    %add3A_364 = vector.broadcast %add3A_363 : i32 to vector<16xi32>
    %add3A_365 = arith.addi %add3A_358, %add3A_364 : vector<16xi32>
    %swap3A_366 = arith.constant 1 : i32
    %swap3A_367 = arith.index_cast %swap3A_366 : i32 to index
    %swap3A_368 = arith.constant 112 : index
    %swap3A_369 = tpu.vector_load %arg8[%swap3A_367, %swap3A_368] {strides = array<i32>} : memref<2x128xi32, #tpu.memory_space<vmem>>, vector<16xi32>,
    tpu.vector_store %arg8[%swap3A_367, %swap3A_368], %add3A_365 {strides = array<i32>} : memref<2x128xi32, #tpu.memory_space<vmem>>, vector<16xi32>,
    %dma_start3A = arith.constant 0 : i32
    %dma_start3A_370 = arith.constant 0 : i32
    %dma_start3A_371 = arith.constant 0 : i32
    %dma_start3A_372 = tpu.memref_slice %arg10[%dma_start3A_370, %dma_start3A_371] : memref<2x128xf32, #tpu.memory_space<vmem>> -> memref<1x128xf32, #tpu.memory_space<vmem>>
    %dma_start3A_373 = tpu.memref_squeeze %dma_start3A_372 : memref<1x128xf32, #tpu.memory_space<vmem>> -> memref<128xf32, #tpu.memory_space<vmem>>
    %dma_start3A_374 = arith.constant 0 : i32
    %dma_start3A_375 = tpu.memref_slice %arg7[%dma_start3A, %dma_start3A_374] : memref<2x128xi32, #tpu.memory_space<vmem>> -> memref<1x128xi32, #tpu.memory_space<vmem>>
    %dma_start3A_376 = tpu.memref_squeeze %dma_start3A_375 : memref<1x128xi32, #tpu.memory_space<vmem>> -> memref<128xi32, #tpu.memory_space<vmem>>
    %dma_start3A_377 = arith.constant 0 : i32
    %dma_start3A_378 = tpu.memref_slice %arg2[%dma_start3A_377] : memref<33554432xf32, #tpu.memory_space<hbm>> -> memref<33554432xf32, #tpu.memory_space<hbm>>
    tpu.enqueue_indirect_dma source(%dma_start3A_378 : memref<33554432xf32, #tpu.memory_space<hbm>>) target(%dma_start3A_373 : memref<128xf32, #tpu.memory_space<vmem>>) offsets(%dma_start3A_376 : memref<128xi32, #tpu.memory_space<vmem>>) semaphore(%arg16 : memref<!tpu.dma_semaphore, #tpu.memory_space<semaphore_mem>>)
    %dma_start3A_379 = arith.constant 0 : i32
    %dma_start3A_380 = arith.constant 0 : i32
    %dma_start3A_381 = arith.constant 0 : i32
    %dma_start3A_382 = tpu.memref_slice %arg11[%dma_start3A_380, %dma_start3A_381] : memref<2x128xf32, #tpu.memory_space<vmem>> -> memref<1x128xf32, #tpu.memory_space<vmem>>
    %dma_start3A_383 = tpu.memref_squeeze %dma_start3A_382 : memref<1x128xf32, #tpu.memory_space<vmem>> -> memref<128xf32, #tpu.memory_space<vmem>>
    %dma_start3A_384 = arith.constant 0 : i32
    %dma_start3A_385 = tpu.memref_slice %arg8[%dma_start3A_379, %dma_start3A_384] : memref<2x128xi32, #tpu.memory_space<vmem>> -> memref<1x128xi32, #tpu.memory_space<vmem>>
    %dma_start3A_386 = tpu.memref_squeeze %dma_start3A_385 : memref<1x128xi32, #tpu.memory_space<vmem>> -> memref<128xi32, #tpu.memory_space<vmem>>
    %dma_start3A_387 = arith.constant 0 : i32
    %dma_start3A_388 = tpu.memref_slice %arg2[%dma_start3A_387] : memref<33554432xf32, #tpu.memory_space<hbm>> -> memref<33554432xf32, #tpu.memory_space<hbm>>
    tpu.enqueue_indirect_dma source(%dma_start3A_388 : memref<33554432xf32, #tpu.memory_space<hbm>>) target(%dma_start3A_383 : memref<128xf32, #tpu.memory_space<vmem>>) offsets(%dma_start3A_386 : memref<128xi32, #tpu.memory_space<vmem>>) semaphore(%arg16 : memref<!tpu.dma_semaphore, #tpu.memory_space<semaphore_mem>>)
    %dma_start3A_389 = arith.constant 1 : i32
    %dma_start3A_390 = arith.constant 1 : i32
    %dma_start3A_391 = arith.constant 0 : i32
    %dma_start3A_392 = tpu.memref_slice %arg10[%dma_start3A_390, %dma_start3A_391] : memref<2x128xf32, #tpu.memory_space<vmem>> -> memref<1x128xf32, #tpu.memory_space<vmem>>
    %dma_start3A_393 = tpu.memref_squeeze %dma_start3A_392 : memref<1x128xf32, #tpu.memory_space<vmem>> -> memref<128xf32, #tpu.memory_space<vmem>>
    %dma_start3A_394 = arith.constant 0 : i32
    %dma_start3A_395 = tpu.memref_slice %arg7[%dma_start3A_389, %dma_start3A_394] : memref<2x128xi32, #tpu.memory_space<vmem>> -> memref<1x128xi32, #tpu.memory_space<vmem>>
    %dma_start3A_396 = tpu.memref_squeeze %dma_start3A_395 : memref<1x128xi32, #tpu.memory_space<vmem>> -> memref<128xi32, #tpu.memory_space<vmem>>
    %dma_start3A_397 = arith.constant 0 : i32
    %dma_start3A_398 = tpu.memref_slice %arg2[%dma_start3A_397] : memref<33554432xf32, #tpu.memory_space<hbm>> -> memref<33554432xf32, #tpu.memory_space<hbm>>
    tpu.enqueue_indirect_dma source(%dma_start3A_398 : memref<33554432xf32, #tpu.memory_space<hbm>>) target(%dma_start3A_393 : memref<128xf32, #tpu.memory_space<vmem>>) offsets(%dma_start3A_396 : memref<128xi32, #tpu.memory_space<vmem>>) semaphore(%arg16 : memref<!tpu.dma_semaphore, #tpu.memory_space<semaphore_mem>>)
    %dma_start3A_399 = arith.constant 1 : i32
    %dma_start3A_400 = arith.constant 1 : i32
    %dma_start3A_401 = arith.constant 0 : i32
    %dma_start3A_402 = tpu.memref_slice %arg11[%dma_start3A_400, %dma_start3A_401] : memref<2x128xf32, #tpu.memory_space<vmem>> -> memref<1x128xf32, #tpu.memory_space<vmem>>
    %dma_start3A_403 = tpu.memref_squeeze %dma_start3A_402 : memref<1x128xf32, #tpu.memory_space<vmem>> -> memref<128xf32, #tpu.memory_space<vmem>>
    %dma_start3A_404 = arith.constant 0 : i32
    %dma_start3A_405 = tpu.memref_slice %arg8[%dma_start3A_399, %dma_start3A_404] : memref<2x128xi32, #tpu.memory_space<vmem>> -> memref<1x128xi32, #tpu.memory_space<vmem>>
    %dma_start3A_406 = tpu.memref_squeeze %dma_start3A_405 : memref<1x128xi32, #tpu.memory_space<vmem>> -> memref<128xi32, #tpu.memory_space<vmem>>
    %dma_start3A_407 = arith.constant 0 : i32
    %dma_start3A_408 = tpu.memref_slice %arg2[%dma_start3A_407] : memref<33554432xf32, #tpu.memory_space<hbm>> -> memref<33554432xf32, #tpu.memory_space<hbm>>
    tpu.enqueue_indirect_dma source(%dma_start3A_408 : memref<33554432xf32, #tpu.memory_space<hbm>>) target(%dma_start3A_403 : memref<128xf32, #tpu.memory_space<vmem>>) offsets(%dma_start3A_406 : memref<128xi32, #tpu.memory_space<vmem>>) semaphore(%arg16 : memref<!tpu.dma_semaphore, #tpu.memory_space<semaphore_mem>>)
    tpu.wait_dma2 semaphore(%arg17 : memref<!tpu.dma_semaphore, #tpu.memory_space<semaphore_mem>>) src(%arg3 : memref<64xi32, #tpu.memory_space<hbm>>) dst(%arg13 : memref<64xi32, #tpu.memory_space<vmem>>)
    tpu.wait_dma2 semaphore(%arg17 : memref<!tpu.dma_semaphore, #tpu.memory_space<semaphore_mem>>) src(%arg5 : memref<32xf32, #tpu.memory_space<hbm>>) dst(%arg14 : memref<32xf32, #tpu.memory_space<vmem>>)
    %broadcast_in_dim3A = arith.constant 0 : i32
    %broadcast_in_dim3A_409 = vector.broadcast %broadcast_in_dim3A : i32 to vector<16xi32>
    %add3A_410 = arith.constant 1 : i32
    %add3A_411 = vector.broadcast %add3A_410 : i32 to vector<16xi32>
    %add3A_412 = arith.addi %broadcast_in_dim3A_409, %add3A_411 : vector<16xi32>
    %broadcast_in_dim3A_413 = arith.constant -1 : i32
    %broadcast_in_dim3A_414 = vector.broadcast %broadcast_in_dim3A_413 : i32 to vector<16xi32>
    %swap3A_415 = arith.constant 0 : index
    %swap3A_416 = tpu.vector_load %arg15[%swap3A_415] {strides = array<i32>} : memref<16xi32, #tpu.memory_space<vmem>>, vector<16xi32>,
    tpu.vector_store %arg15[%swap3A_415], %broadcast_in_dim3A_414 {strides = array<i32>} : memref<16xi32, #tpu.memory_space<vmem>>, vector<16xi32>,
    %get3A = arith.constant 0 : index
    %get3A_417 = tpu.vector_load %arg13[%get3A] {strides = array<i32>} : memref<64xi32, #tpu.memory_space<vmem>>, vector<16xi32>,
    %add3A_418 = arith.constant 0 : i32
    %add3A_419 = vector.broadcast %add3A_418 : i32 to vector<16xi32>
    %add3A_420 = arith.addi %iota3A, %add3A_419 : vector<16xi32>
    %eq3A = arith.constant 4095 : i32
    %eq3A_421 = vector.broadcast %eq3A : i32 to vector<16xi32>
    %eq3A_422 = arith.cmpi eq, %get3A_417, %eq3A_421 : vector<16xi32>
    tpu.vector_store_idx %arg15[%add3A_412], %add3A_420 masked %eq3A_422 : memref<16xi32, #tpu.memory_space<vmem>>[vector<16xi32>], vector<16xi32>, vector<16xi1>
    %get3A_423 = arith.constant 16 : index
    %get3A_424 = tpu.vector_load %arg13[%get3A_423] {strides = array<i32>} : memref<64xi32, #tpu.memory_space<vmem>>, vector<16xi32>,
    %add3A_425 = arith.constant 16 : i32
    %add3A_426 = vector.broadcast %add3A_425 : i32 to vector<16xi32>
    %add3A_427 = arith.addi %iota3A, %add3A_426 : vector<16xi32>
    %eq3A_428 = arith.constant 4095 : i32
    %eq3A_429 = vector.broadcast %eq3A_428 : i32 to vector<16xi32>
    %eq3A_430 = arith.cmpi eq, %get3A_424, %eq3A_429 : vector<16xi32>
    tpu.vector_store_idx %arg15[%add3A_412], %add3A_427 masked %eq3A_430 : memref<16xi32, #tpu.memory_space<vmem>>[vector<16xi32>], vector<16xi32>, vector<16xi1>
    %get3A_431 = arith.constant 32 : index
    %get3A_432 = tpu.vector_load %arg13[%get3A_431] {strides = array<i32>} : memref<64xi32, #tpu.memory_space<vmem>>, vector<16xi32>,
    %add3A_433 = arith.constant 32 : i32
    %add3A_434 = vector.broadcast %add3A_433 : i32 to vector<16xi32>
    %add3A_435 = arith.addi %iota3A, %add3A_434 : vector<16xi32>
    %eq3A_436 = arith.constant 4095 : i32
    %eq3A_437 = vector.broadcast %eq3A_436 : i32 to vector<16xi32>
    %eq3A_438 = arith.cmpi eq, %get3A_432, %eq3A_437 : vector<16xi32>
    tpu.vector_store_idx %arg15[%add3A_412], %add3A_435 masked %eq3A_438 : memref<16xi32, #tpu.memory_space<vmem>>[vector<16xi32>], vector<16xi32>, vector<16xi1>
    %get3A_439 = arith.constant 48 : index
    %get3A_440 = tpu.vector_load %arg13[%get3A_439] {strides = array<i32>} : memref<64xi32, #tpu.memory_space<vmem>>, vector<16xi32>,
    %add3A_441 = arith.constant 48 : i32
    %add3A_442 = vector.broadcast %add3A_441 : i32 to vector<16xi32>
    %add3A_443 = arith.addi %iota3A, %add3A_442 : vector<16xi32>
    %eq3A_444 = arith.constant 4095 : i32
    %eq3A_445 = vector.broadcast %eq3A_444 : i32 to vector<16xi32>
    %eq3A_446 = arith.cmpi eq, %get3A_440, %eq3A_445 : vector<16xi32>
    tpu.vector_store_idx %arg15[%add3A_412], %add3A_443 masked %eq3A_446 : memref<16xi32, #tpu.memory_space<vmem>>[vector<16xi32>], vector<16xi32>, vector<16xi1>
    %gather3A = tpu.vector_load_idx %arg15[%add3A_412] : memref<16xi32, #tpu.memory_space<vmem>>[vector<16xi32>], vector<16xi32>,
    %max3A = arith.constant 0 : i32
    %max3A_447 = vector.broadcast %max3A : i32 to vector<16xi32>
    %max3A_448 = arith.maxsi %gather3A, %max3A_447 : vector<16xi32>
    %dma_wait3A = arith.constant 0 : i32
    %dma_wait3A_449 = arith.constant 0 : i32
    %dma_wait3A_450 = arith.constant 0 : i32
    %dma_wait3A_451 = tpu.memref_slice %arg10[%dma_wait3A_449, %dma_wait3A_450] : memref<2x128xf32, #tpu.memory_space<vmem>> -> memref<1x128xf32, #tpu.memory_space<vmem>>
    %dma_wait3A_452 = tpu.memref_squeeze %dma_wait3A_451 : memref<1x128xf32, #tpu.memory_space<vmem>> -> memref<128xf32, #tpu.memory_space<vmem>>
    %dma_wait3A_453 = arith.constant 0 : i32
    %dma_wait3A_454 = tpu.memref_slice %arg7[%dma_wait3A, %dma_wait3A_453] : memref<2x128xi32, #tpu.memory_space<vmem>> -> memref<1x128xi32, #tpu.memory_space<vmem>>
    %dma_wait3A_455 = tpu.memref_squeeze %dma_wait3A_454 : memref<1x128xi32, #tpu.memory_space<vmem>> -> memref<128xi32, #tpu.memory_space<vmem>>
    %dma_wait3A_456 = arith.constant 0 : i32
    %dma_wait3A_457 = tpu.memref_slice %arg2[%dma_wait3A_456] : memref<33554432xf32, #tpu.memory_space<hbm>> -> memref<33554432xf32, #tpu.memory_space<hbm>>
    tpu.wait_indirect_dma semaphore(%arg16 : memref<!tpu.dma_semaphore, #tpu.memory_space<semaphore_mem>>) src(%dma_wait3A_457 : memref<33554432xf32, #tpu.memory_space<hbm>>) dst(%dma_wait3A_452 : memref<128xf32, #tpu.memory_space<vmem>>)
    %dma_wait3A_458 = arith.constant 0 : i32
    %dma_wait3A_459 = arith.constant 0 : i32
    %dma_wait3A_460 = arith.constant 0 : i32
    %dma_wait3A_461 = tpu.memref_slice %arg11[%dma_wait3A_459, %dma_wait3A_460] : memref<2x128xf32, #tpu.memory_space<vmem>> -> memref<1x128xf32, #tpu.memory_space<vmem>>
    %dma_wait3A_462 = tpu.memref_squeeze %dma_wait3A_461 : memref<1x128xf32, #tpu.memory_space<vmem>> -> memref<128xf32, #tpu.memory_space<vmem>>
    %dma_wait3A_463 = arith.constant 0 : i32
    %dma_wait3A_464 = tpu.memref_slice %arg8[%dma_wait3A_458, %dma_wait3A_463] : memref<2x128xi32, #tpu.memory_space<vmem>> -> memref<1x128xi32, #tpu.memory_space<vmem>>
    %dma_wait3A_465 = tpu.memref_squeeze %dma_wait3A_464 : memref<1x128xi32, #tpu.memory_space<vmem>> -> memref<128xi32, #tpu.memory_space<vmem>>
    %dma_wait3A_466 = arith.constant 0 : i32
    %dma_wait3A_467 = tpu.memref_slice %arg2[%dma_wait3A_466] : memref<33554432xf32, #tpu.memory_space<hbm>> -> memref<33554432xf32, #tpu.memory_space<hbm>>
    tpu.wait_indirect_dma semaphore(%arg16 : memref<!tpu.dma_semaphore, #tpu.memory_space<semaphore_mem>>) src(%dma_wait3A_467 : memref<33554432xf32, #tpu.memory_space<hbm>>) dst(%dma_wait3A_462 : memref<128xf32, #tpu.memory_space<vmem>>)
    %dma_wait3A_468 = arith.constant 1 : i32
    %dma_wait3A_469 = arith.constant 1 : i32
    %dma_wait3A_470 = arith.constant 0 : i32
    %dma_wait3A_471 = tpu.memref_slice %arg10[%dma_wait3A_469, %dma_wait3A_470] : memref<2x128xf32, #tpu.memory_space<vmem>> -> memref<1x128xf32, #tpu.memory_space<vmem>>
    %dma_wait3A_472 = tpu.memref_squeeze %dma_wait3A_471 : memref<1x128xf32, #tpu.memory_space<vmem>> -> memref<128xf32, #tpu.memory_space<vmem>>
    %dma_wait3A_473 = arith.constant 0 : i32
    %dma_wait3A_474 = tpu.memref_slice %arg7[%dma_wait3A_468, %dma_wait3A_473] : memref<2x128xi32, #tpu.memory_space<vmem>> -> memref<1x128xi32, #tpu.memory_space<vmem>>
    %dma_wait3A_475 = tpu.memref_squeeze %dma_wait3A_474 : memref<1x128xi32, #tpu.memory_space<vmem>> -> memref<128xi32, #tpu.memory_space<vmem>>
    %dma_wait3A_476 = arith.constant 0 : i32
    %dma_wait3A_477 = tpu.memref_slice %arg2[%dma_wait3A_476] : memref<33554432xf32, #tpu.memory_space<hbm>> -> memref<33554432xf32, #tpu.memory_space<hbm>>
    tpu.wait_indirect_dma semaphore(%arg16 : memref<!tpu.dma_semaphore, #tpu.memory_space<semaphore_mem>>) src(%dma_wait3A_477 : memref<33554432xf32, #tpu.memory_space<hbm>>) dst(%dma_wait3A_472 : memref<128xf32, #tpu.memory_space<vmem>>)
    %dma_wait3A_478 = arith.constant 1 : i32
    %dma_wait3A_479 = arith.constant 1 : i32
    %dma_wait3A_480 = arith.constant 0 : i32
    %dma_wait3A_481 = tpu.memref_slice %arg11[%dma_wait3A_479, %dma_wait3A_480] : memref<2x128xf32, #tpu.memory_space<vmem>> -> memref<1x128xf32, #tpu.memory_space<vmem>>
    %dma_wait3A_482 = tpu.memref_squeeze %dma_wait3A_481 : memref<1x128xf32, #tpu.memory_space<vmem>> -> memref<128xf32, #tpu.memory_space<vmem>>
    %dma_wait3A_483 = arith.constant 0 : i32
    %dma_wait3A_484 = tpu.memref_slice %arg8[%dma_wait3A_478, %dma_wait3A_483] : memref<2x128xi32, #tpu.memory_space<vmem>> -> memref<1x128xi32, #tpu.memory_space<vmem>>
    %dma_wait3A_485 = tpu.memref_squeeze %dma_wait3A_484 : memref<1x128xi32, #tpu.memory_space<vmem>> -> memref<128xi32, #tpu.memory_space<vmem>>
    %dma_wait3A_486 = arith.constant 0 : i32
    %dma_wait3A_487 = tpu.memref_slice %arg2[%dma_wait3A_486] : memref<33554432xf32, #tpu.memory_space<hbm>> -> memref<33554432xf32, #tpu.memory_space<hbm>>
    tpu.wait_indirect_dma semaphore(%arg16 : memref<!tpu.dma_semaphore, #tpu.memory_space<semaphore_mem>>) src(%dma_wait3A_487 : memref<33554432xf32, #tpu.memory_space<hbm>>) dst(%dma_wait3A_482 : memref<128xf32, #tpu.memory_space<vmem>>)
    %reduce_max3A = arith.constant true
    %reduce_max3A_488 = vector.broadcast %reduce_max3A : i1 to vector<16xi1>
    %reduce_max3A_489 = arith.constant -2147483648 : i32
    %reduce_max3A_490 = vector.broadcast %reduce_max3A_489 : i32 to vector<16xi32>
    %reduce_max3A_491 = arith.xori %gather3A, %reduce_max3A_490 : vector<16xi32>
    %reduce_max3A_492 = tpu.scan <max>, %reduce_max3A_491 masked %reduce_max3A_488 : vector<16xi32>, vector<16xi1> -> vector<16xi32>
    %reduce_max3A_493 = arith.xori %reduce_max3A_492, %reduce_max3A_490 : vector<16xi32>
    %reduce_max3A_494 = vector.extract %reduce_max3A_493[15] : i32 from vector<16xi32>
    %ge3A = arith.constant 0 : i32
    %ge3A_495 = arith.cmpi sge, %reduce_max3A_494, %ge3A : i32
    %convert_element_type3A = arith.extui %ge3A_495 : i1 to i32
    %cond3A = arith.constant 0 : i32
    %cond3A_496 = arith.cmpi ne, %convert_element_type3A, %cond3A : i32
    scf.if %cond3A_496 {
      %shift_right_arithmetic3A = arith.constant 3 : i32
      %shift_right_arithmetic3A_709 = vector.broadcast %shift_right_arithmetic3A : i32 to vector<16xi32>
      %shift_right_arithmetic3A_710 = arith.shrsi %max3A_448, %shift_right_arithmetic3A_709 : vector<16xi32>
      %mul3A_711 = arith.constant 32768 : i32
      %mul3A_712 = vector.broadcast %mul3A_711 : i32 to vector<16xi32>
      %mul3A_713 = arith.muli %shift_right_arithmetic3A_710, %mul3A_712 : vector<16xi32>
      %and3A = arith.constant 7 : i32
      %and3A_714 = vector.broadcast %and3A : i32 to vector<16xi32>
      %and3A_715 = arith.andi %max3A_448, %and3A_714 : vector<16xi32>
      %mul3A_716 = arith.constant 128 : i32
      %mul3A_717 = vector.broadcast %mul3A_716 : i32 to vector<16xi32>
      %mul3A_718 = arith.muli %and3A_715, %mul3A_717 : vector<16xi32>
      %add3A_719 = arith.addi %mul3A_713, %mul3A_718 : vector<16xi32>
      %add3A_720 = arith.constant 0 : i32
      %add3A_721 = arith.addi %mul3A_2, %add3A_720 : i32
      %jit3A = arith.constant 128 : i32
      %div3A = arith.divsi %add3A_721, %jit3A : i32
      %sign3A = arith.constant 0 : i32
      %sign3A_722 = arith.cmpi sgt, %add3A_721, %sign3A : i32
      %sign3A_723 = arith.extui %sign3A_722 : i1 to i32
      %sign3A_724 = arith.constant 0 : i32
      %sign3A_725 = arith.cmpi slt, %add3A_721, %sign3A_724 : i32
      %sign3A_726 = arith.extui %sign3A_725 : i1 to i32
      %sign3A_727 = arith.subi %sign3A_723, %sign3A_726 : i32
      %sign3A_728 = arith.constant 0 : i32
      %sign3A_729 = arith.cmpi sgt, %jit3A, %sign3A_728 : i32
      %sign3A_730 = arith.extui %sign3A_729 : i1 to i32
      %sign3A_731 = arith.constant 0 : i32
      %sign3A_732 = arith.cmpi slt, %jit3A, %sign3A_731 : i32
      %sign3A_733 = arith.extui %sign3A_732 : i1 to i32
      %sign3A_734 = arith.subi %sign3A_730, %sign3A_733 : i32
      %ne3A = arith.cmpi ne, %sign3A_727, %sign3A_734 : i32
      %rem3A = arith.remsi %add3A_721, %jit3A : i32
      %ne3A_735 = arith.constant 0 : i32
      %ne3A_736 = arith.cmpi ne, %rem3A, %ne3A_735 : i32
      %and3A_737 = arith.andi %ne3A, %ne3A_736 : i1
      %sub3A = arith.constant 1 : i32
      %sub3A_738 = arith.subi %div3A, %sub3A : i32
      %select_n3A = arith.select %and3A_737, %sub3A_738, %div3A : i32
      %mul3A_739 = arith.constant 1024 : i32
      %mul3A_740 = arith.muli %select_n3A, %mul3A_739 : i32
      %add3A_741 = vector.broadcast %mul3A_740 : i32 to vector<16xi32>
      %add3A_742 = arith.addi %add3A_719, %add3A_741 : vector<16xi32>
      %add3A_743 = arith.constant 0 : i32
      %add3A_744 = vector.broadcast %add3A_743 : i32 to vector<16xi32>
      %add3A_745 = arith.addi %add3A_742, %add3A_744 : vector<16xi32>
      %add3A_746 = arith.addi %add3A_745, %iota3A : vector<16xi32>
      %swap3A_747 = arith.constant 0 : i32
      %swap3A_748 = arith.index_cast %swap3A_747 : i32 to index
      %swap3A_749 = arith.constant 0 : index
      %swap3A_750 = tpu.vector_load %arg9[%swap3A_748, %swap3A_749] {strides = array<i32>} : memref<2x128xi32, #tpu.memory_space<vmem>>, vector<16xi32>,
      tpu.vector_store %arg9[%swap3A_748, %swap3A_749], %add3A_746 {strides = array<i32>} : memref<2x128xi32, #tpu.memory_space<vmem>>, vector<16xi32>,
      %mul3A_751 = arith.constant 1024 : i32
      %mul3A_752 = arith.muli %select_n3A, %mul3A_751 : i32
      %add3A_753 = vector.broadcast %mul3A_752 : i32 to vector<16xi32>
      %add3A_754 = arith.addi %add3A_719, %add3A_753 : vector<16xi32>
      %add3A_755 = arith.constant 16 : i32
      %add3A_756 = vector.broadcast %add3A_755 : i32 to vector<16xi32>
      %add3A_757 = arith.addi %add3A_754, %add3A_756 : vector<16xi32>
      %add3A_758 = arith.addi %add3A_757, %iota3A : vector<16xi32>
      %swap3A_759 = arith.constant 0 : i32
      %swap3A_760 = arith.index_cast %swap3A_759 : i32 to index
      %swap3A_761 = arith.constant 16 : index
      %swap3A_762 = tpu.vector_load %arg9[%swap3A_760, %swap3A_761] {strides = array<i32>} : memref<2x128xi32, #tpu.memory_space<vmem>>, vector<16xi32>,
      tpu.vector_store %arg9[%swap3A_760, %swap3A_761], %add3A_758 {strides = array<i32>} : memref<2x128xi32, #tpu.memory_space<vmem>>, vector<16xi32>,
      %mul3A_763 = arith.constant 1024 : i32
      %mul3A_764 = arith.muli %select_n3A, %mul3A_763 : i32
      %add3A_765 = vector.broadcast %mul3A_764 : i32 to vector<16xi32>
      %add3A_766 = arith.addi %add3A_719, %add3A_765 : vector<16xi32>
      %add3A_767 = arith.constant 32 : i32
      %add3A_768 = vector.broadcast %add3A_767 : i32 to vector<16xi32>
      %add3A_769 = arith.addi %add3A_766, %add3A_768 : vector<16xi32>
      %add3A_770 = arith.addi %add3A_769, %iota3A : vector<16xi32>
      %swap3A_771 = arith.constant 0 : i32
      %swap3A_772 = arith.index_cast %swap3A_771 : i32 to index
      %swap3A_773 = arith.constant 32 : index
      %swap3A_774 = tpu.vector_load %arg9[%swap3A_772, %swap3A_773] {strides = array<i32>} : memref<2x128xi32, #tpu.memory_space<vmem>>, vector<16xi32>,
      tpu.vector_store %arg9[%swap3A_772, %swap3A_773], %add3A_770 {strides = array<i32>} : memref<2x128xi32, #tpu.memory_space<vmem>>, vector<16xi32>,
      %mul3A_775 = arith.constant 1024 : i32
      %mul3A_776 = arith.muli %select_n3A, %mul3A_775 : i32
      %add3A_777 = vector.broadcast %mul3A_776 : i32 to vector<16xi32>
      %add3A_778 = arith.addi %add3A_719, %add3A_777 : vector<16xi32>
      %add3A_779 = arith.constant 48 : i32
      %add3A_780 = vector.broadcast %add3A_779 : i32 to vector<16xi32>
      %add3A_781 = arith.addi %add3A_778, %add3A_780 : vector<16xi32>
      %add3A_782 = arith.addi %add3A_781, %iota3A : vector<16xi32>
      %swap3A_783 = arith.constant 0 : i32
      %swap3A_784 = arith.index_cast %swap3A_783 : i32 to index
      %swap3A_785 = arith.constant 48 : index
      %swap3A_786 = tpu.vector_load %arg9[%swap3A_784, %swap3A_785] {strides = array<i32>} : memref<2x128xi32, #tpu.memory_space<vmem>>, vector<16xi32>,
      tpu.vector_store %arg9[%swap3A_784, %swap3A_785], %add3A_782 {strides = array<i32>} : memref<2x128xi32, #tpu.memory_space<vmem>>, vector<16xi32>,
      %mul3A_787 = arith.constant 1024 : i32
      %mul3A_788 = arith.muli %select_n3A, %mul3A_787 : i32
      %add3A_789 = vector.broadcast %mul3A_788 : i32 to vector<16xi32>
      %add3A_790 = arith.addi %add3A_719, %add3A_789 : vector<16xi32>
      %add3A_791 = arith.constant 64 : i32
      %add3A_792 = vector.broadcast %add3A_791 : i32 to vector<16xi32>
      %add3A_793 = arith.addi %add3A_790, %add3A_792 : vector<16xi32>
      %add3A_794 = arith.addi %add3A_793, %iota3A : vector<16xi32>
      %swap3A_795 = arith.constant 0 : i32
      %swap3A_796 = arith.index_cast %swap3A_795 : i32 to index
      %swap3A_797 = arith.constant 64 : index
      %swap3A_798 = tpu.vector_load %arg9[%swap3A_796, %swap3A_797] {strides = array<i32>} : memref<2x128xi32, #tpu.memory_space<vmem>>, vector<16xi32>,
      tpu.vector_store %arg9[%swap3A_796, %swap3A_797], %add3A_794 {strides = array<i32>} : memref<2x128xi32, #tpu.memory_space<vmem>>, vector<16xi32>,
      %mul3A_799 = arith.constant 1024 : i32
      %mul3A_800 = arith.muli %select_n3A, %mul3A_799 : i32
      %add3A_801 = vector.broadcast %mul3A_800 : i32 to vector<16xi32>
      %add3A_802 = arith.addi %add3A_719, %add3A_801 : vector<16xi32>
      %add3A_803 = arith.constant 80 : i32
      %add3A_804 = vector.broadcast %add3A_803 : i32 to vector<16xi32>
      %add3A_805 = arith.addi %add3A_802, %add3A_804 : vector<16xi32>
      %add3A_806 = arith.addi %add3A_805, %iota3A : vector<16xi32>
      %swap3A_807 = arith.constant 0 : i32
      %swap3A_808 = arith.index_cast %swap3A_807 : i32 to index
      %swap3A_809 = arith.constant 80 : index
      %swap3A_810 = tpu.vector_load %arg9[%swap3A_808, %swap3A_809] {strides = array<i32>} : memref<2x128xi32, #tpu.memory_space<vmem>>, vector<16xi32>,
      tpu.vector_store %arg9[%swap3A_808, %swap3A_809], %add3A_806 {strides = array<i32>} : memref<2x128xi32, #tpu.memory_space<vmem>>, vector<16xi32>,
      %mul3A_811 = arith.constant 1024 : i32
      %mul3A_812 = arith.muli %select_n3A, %mul3A_811 : i32
      %add3A_813 = vector.broadcast %mul3A_812 : i32 to vector<16xi32>
      %add3A_814 = arith.addi %add3A_719, %add3A_813 : vector<16xi32>
      %add3A_815 = arith.constant 96 : i32
      %add3A_816 = vector.broadcast %add3A_815 : i32 to vector<16xi32>
      %add3A_817 = arith.addi %add3A_814, %add3A_816 : vector<16xi32>
      %add3A_818 = arith.addi %add3A_817, %iota3A : vector<16xi32>
      %swap3A_819 = arith.constant 0 : i32
      %swap3A_820 = arith.index_cast %swap3A_819 : i32 to index
      %swap3A_821 = arith.constant 96 : index
      %swap3A_822 = tpu.vector_load %arg9[%swap3A_820, %swap3A_821] {strides = array<i32>} : memref<2x128xi32, #tpu.memory_space<vmem>>, vector<16xi32>,
      tpu.vector_store %arg9[%swap3A_820, %swap3A_821], %add3A_818 {strides = array<i32>} : memref<2x128xi32, #tpu.memory_space<vmem>>, vector<16xi32>,
      %mul3A_823 = arith.constant 1024 : i32
      %mul3A_824 = arith.muli %select_n3A, %mul3A_823 : i32
      %add3A_825 = vector.broadcast %mul3A_824 : i32 to vector<16xi32>
      %add3A_826 = arith.addi %add3A_719, %add3A_825 : vector<16xi32>
      %add3A_827 = arith.constant 112 : i32
      %add3A_828 = vector.broadcast %add3A_827 : i32 to vector<16xi32>
      %add3A_829 = arith.addi %add3A_826, %add3A_828 : vector<16xi32>
      %add3A_830 = arith.addi %add3A_829, %iota3A : vector<16xi32>
      %swap3A_831 = arith.constant 0 : i32
      %swap3A_832 = arith.index_cast %swap3A_831 : i32 to index
      %swap3A_833 = arith.constant 112 : index
      %swap3A_834 = tpu.vector_load %arg9[%swap3A_832, %swap3A_833] {strides = array<i32>} : memref<2x128xi32, #tpu.memory_space<vmem>>, vector<16xi32>,
      tpu.vector_store %arg9[%swap3A_832, %swap3A_833], %add3A_830 {strides = array<i32>} : memref<2x128xi32, #tpu.memory_space<vmem>>, vector<16xi32>,
      %add3A_835 = arith.constant 128 : i32
      %add3A_836 = arith.addi %mul3A_2, %add3A_835 : i32
      %jit3A_837 = arith.constant 128 : i32
      %div3A_838 = arith.divsi %add3A_836, %jit3A_837 : i32
      %sign3A_839 = arith.constant 0 : i32
      %sign3A_840 = arith.cmpi sgt, %add3A_836, %sign3A_839 : i32
      %sign3A_841 = arith.extui %sign3A_840 : i1 to i32
      %sign3A_842 = arith.constant 0 : i32
      %sign3A_843 = arith.cmpi slt, %add3A_836, %sign3A_842 : i32
      %sign3A_844 = arith.extui %sign3A_843 : i1 to i32
      %sign3A_845 = arith.subi %sign3A_841, %sign3A_844 : i32
      %sign3A_846 = arith.constant 0 : i32
      %sign3A_847 = arith.cmpi sgt, %jit3A_837, %sign3A_846 : i32
      %sign3A_848 = arith.extui %sign3A_847 : i1 to i32
      %sign3A_849 = arith.constant 0 : i32
      %sign3A_850 = arith.cmpi slt, %jit3A_837, %sign3A_849 : i32
      %sign3A_851 = arith.extui %sign3A_850 : i1 to i32
      %sign3A_852 = arith.subi %sign3A_848, %sign3A_851 : i32
      %ne3A_853 = arith.cmpi ne, %sign3A_845, %sign3A_852 : i32
      %rem3A_854 = arith.remsi %add3A_836, %jit3A_837 : i32
      %ne3A_855 = arith.constant 0 : i32
      %ne3A_856 = arith.cmpi ne, %rem3A_854, %ne3A_855 : i32
      %and3A_857 = arith.andi %ne3A_853, %ne3A_856 : i1
      %sub3A_858 = arith.constant 1 : i32
      %sub3A_859 = arith.subi %div3A_838, %sub3A_858 : i32
      %select_n3A_860 = arith.select %and3A_857, %sub3A_859, %div3A_838 : i32
      %mul3A_861 = arith.constant 1024 : i32
      %mul3A_862 = arith.muli %select_n3A_860, %mul3A_861 : i32
      %add3A_863 = vector.broadcast %mul3A_862 : i32 to vector<16xi32>
      %add3A_864 = arith.addi %add3A_719, %add3A_863 : vector<16xi32>
      %add3A_865 = arith.constant 0 : i32
      %add3A_866 = vector.broadcast %add3A_865 : i32 to vector<16xi32>
      %add3A_867 = arith.addi %add3A_864, %add3A_866 : vector<16xi32>
      %add3A_868 = arith.addi %add3A_867, %iota3A : vector<16xi32>
      %swap3A_869 = arith.constant 1 : i32
      %swap3A_870 = arith.index_cast %swap3A_869 : i32 to index
      %swap3A_871 = arith.constant 0 : index
      %swap3A_872 = tpu.vector_load %arg9[%swap3A_870, %swap3A_871] {strides = array<i32>} : memref<2x128xi32, #tpu.memory_space<vmem>>, vector<16xi32>,
      tpu.vector_store %arg9[%swap3A_870, %swap3A_871], %add3A_868 {strides = array<i32>} : memref<2x128xi32, #tpu.memory_space<vmem>>, vector<16xi32>,
      %mul3A_873 = arith.constant 1024 : i32
      %mul3A_874 = arith.muli %select_n3A_860, %mul3A_873 : i32
      %add3A_875 = vector.broadcast %mul3A_874 : i32 to vector<16xi32>
      %add3A_876 = arith.addi %add3A_719, %add3A_875 : vector<16xi32>
      %add3A_877 = arith.constant 16 : i32
      %add3A_878 = vector.broadcast %add3A_877 : i32 to vector<16xi32>
      %add3A_879 = arith.addi %add3A_876, %add3A_878 : vector<16xi32>
      %add3A_880 = arith.addi %add3A_879, %iota3A : vector<16xi32>
      %swap3A_881 = arith.constant 1 : i32
      %swap3A_882 = arith.index_cast %swap3A_881 : i32 to index
      %swap3A_883 = arith.constant 16 : index
      %swap3A_884 = tpu.vector_load %arg9[%swap3A_882, %swap3A_883] {strides = array<i32>} : memref<2x128xi32, #tpu.memory_space<vmem>>, vector<16xi32>,
      tpu.vector_store %arg9[%swap3A_882, %swap3A_883], %add3A_880 {strides = array<i32>} : memref<2x128xi32, #tpu.memory_space<vmem>>, vector<16xi32>,
      %mul3A_885 = arith.constant 1024 : i32
      %mul3A_886 = arith.muli %select_n3A_860, %mul3A_885 : i32
      %add3A_887 = vector.broadcast %mul3A_886 : i32 to vector<16xi32>
      %add3A_888 = arith.addi %add3A_719, %add3A_887 : vector<16xi32>
      %add3A_889 = arith.constant 32 : i32
      %add3A_890 = vector.broadcast %add3A_889 : i32 to vector<16xi32>
      %add3A_891 = arith.addi %add3A_888, %add3A_890 : vector<16xi32>
      %add3A_892 = arith.addi %add3A_891, %iota3A : vector<16xi32>
      %swap3A_893 = arith.constant 1 : i32
      %swap3A_894 = arith.index_cast %swap3A_893 : i32 to index
      %swap3A_895 = arith.constant 32 : index
      %swap3A_896 = tpu.vector_load %arg9[%swap3A_894, %swap3A_895] {strides = array<i32>} : memref<2x128xi32, #tpu.memory_space<vmem>>, vector<16xi32>,
      tpu.vector_store %arg9[%swap3A_894, %swap3A_895], %add3A_892 {strides = array<i32>} : memref<2x128xi32, #tpu.memory_space<vmem>>, vector<16xi32>,
      %mul3A_897 = arith.constant 1024 : i32
      %mul3A_898 = arith.muli %select_n3A_860, %mul3A_897 : i32
      %add3A_899 = vector.broadcast %mul3A_898 : i32 to vector<16xi32>
      %add3A_900 = arith.addi %add3A_719, %add3A_899 : vector<16xi32>
      %add3A_901 = arith.constant 48 : i32
      %add3A_902 = vector.broadcast %add3A_901 : i32 to vector<16xi32>
      %add3A_903 = arith.addi %add3A_900, %add3A_902 : vector<16xi32>
      %add3A_904 = arith.addi %add3A_903, %iota3A : vector<16xi32>
      %swap3A_905 = arith.constant 1 : i32
      %swap3A_906 = arith.index_cast %swap3A_905 : i32 to index
      %swap3A_907 = arith.constant 48 : index
      %swap3A_908 = tpu.vector_load %arg9[%swap3A_906, %swap3A_907] {strides = array<i32>} : memref<2x128xi32, #tpu.memory_space<vmem>>, vector<16xi32>,
      tpu.vector_store %arg9[%swap3A_906, %swap3A_907], %add3A_904 {strides = array<i32>} : memref<2x128xi32, #tpu.memory_space<vmem>>, vector<16xi32>,
      %mul3A_909 = arith.constant 1024 : i32
      %mul3A_910 = arith.muli %select_n3A_860, %mul3A_909 : i32
      %add3A_911 = vector.broadcast %mul3A_910 : i32 to vector<16xi32>
      %add3A_912 = arith.addi %add3A_719, %add3A_911 : vector<16xi32>
      %add3A_913 = arith.constant 64 : i32
      %add3A_914 = vector.broadcast %add3A_913 : i32 to vector<16xi32>
      %add3A_915 = arith.addi %add3A_912, %add3A_914 : vector<16xi32>
      %add3A_916 = arith.addi %add3A_915, %iota3A : vector<16xi32>
      %swap3A_917 = arith.constant 1 : i32
      %swap3A_918 = arith.index_cast %swap3A_917 : i32 to index
      %swap3A_919 = arith.constant 64 : index
      %swap3A_920 = tpu.vector_load %arg9[%swap3A_918, %swap3A_919] {strides = array<i32>} : memref<2x128xi32, #tpu.memory_space<vmem>>, vector<16xi32>,
      tpu.vector_store %arg9[%swap3A_918, %swap3A_919], %add3A_916 {strides = array<i32>} : memref<2x128xi32, #tpu.memory_space<vmem>>, vector<16xi32>,
      %mul3A_921 = arith.constant 1024 : i32
      %mul3A_922 = arith.muli %select_n3A_860, %mul3A_921 : i32
      %add3A_923 = vector.broadcast %mul3A_922 : i32 to vector<16xi32>
      %add3A_924 = arith.addi %add3A_719, %add3A_923 : vector<16xi32>
      %add3A_925 = arith.constant 80 : i32
      %add3A_926 = vector.broadcast %add3A_925 : i32 to vector<16xi32>
      %add3A_927 = arith.addi %add3A_924, %add3A_926 : vector<16xi32>
      %add3A_928 = arith.addi %add3A_927, %iota3A : vector<16xi32>
      %swap3A_929 = arith.constant 1 : i32
      %swap3A_930 = arith.index_cast %swap3A_929 : i32 to index
      %swap3A_931 = arith.constant 80 : index
      %swap3A_932 = tpu.vector_load %arg9[%swap3A_930, %swap3A_931] {strides = array<i32>} : memref<2x128xi32, #tpu.memory_space<vmem>>, vector<16xi32>,
      tpu.vector_store %arg9[%swap3A_930, %swap3A_931], %add3A_928 {strides = array<i32>} : memref<2x128xi32, #tpu.memory_space<vmem>>, vector<16xi32>,
      %mul3A_933 = arith.constant 1024 : i32
      %mul3A_934 = arith.muli %select_n3A_860, %mul3A_933 : i32
      %add3A_935 = vector.broadcast %mul3A_934 : i32 to vector<16xi32>
      %add3A_936 = arith.addi %add3A_719, %add3A_935 : vector<16xi32>
      %add3A_937 = arith.constant 96 : i32
      %add3A_938 = vector.broadcast %add3A_937 : i32 to vector<16xi32>
      %add3A_939 = arith.addi %add3A_936, %add3A_938 : vector<16xi32>
      %add3A_940 = arith.addi %add3A_939, %iota3A : vector<16xi32>
      %swap3A_941 = arith.constant 1 : i32
      %swap3A_942 = arith.index_cast %swap3A_941 : i32 to index
      %swap3A_943 = arith.constant 96 : index
      %swap3A_944 = tpu.vector_load %arg9[%swap3A_942, %swap3A_943] {strides = array<i32>} : memref<2x128xi32, #tpu.memory_space<vmem>>, vector<16xi32>,
      tpu.vector_store %arg9[%swap3A_942, %swap3A_943], %add3A_940 {strides = array<i32>} : memref<2x128xi32, #tpu.memory_space<vmem>>, vector<16xi32>,
      %mul3A_945 = arith.constant 1024 : i32
      %mul3A_946 = arith.muli %select_n3A_860, %mul3A_945 : i32
      %add3A_947 = vector.broadcast %mul3A_946 : i32 to vector<16xi32>
      %add3A_948 = arith.addi %add3A_719, %add3A_947 : vector<16xi32>
      %add3A_949 = arith.constant 112 : i32
      %add3A_950 = vector.broadcast %add3A_949 : i32 to vector<16xi32>
      %add3A_951 = arith.addi %add3A_948, %add3A_950 : vector<16xi32>
      %add3A_952 = arith.addi %add3A_951, %iota3A : vector<16xi32>
      %swap3A_953 = arith.constant 1 : i32
      %swap3A_954 = arith.index_cast %swap3A_953 : i32 to index
      %swap3A_955 = arith.constant 112 : index
      %swap3A_956 = tpu.vector_load %arg9[%swap3A_954, %swap3A_955] {strides = array<i32>} : memref<2x128xi32, #tpu.memory_space<vmem>>, vector<16xi32>,
      tpu.vector_store %arg9[%swap3A_954, %swap3A_955], %add3A_952 {strides = array<i32>} : memref<2x128xi32, #tpu.memory_space<vmem>>, vector<16xi32>,
      %dma_start3A_957 = arith.constant 0 : i32
      %dma_start3A_958 = arith.constant 0 : i32
      %dma_start3A_959 = arith.constant 0 : i32
      %dma_start3A_960 = tpu.memref_slice %arg11[%dma_start3A_958, %dma_start3A_959] : memref<2x128xf32, #tpu.memory_space<vmem>> -> memref<1x128xf32, #tpu.memory_space<vmem>>
      %dma_start3A_961 = tpu.memref_squeeze %dma_start3A_960 : memref<1x128xf32, #tpu.memory_space<vmem>> -> memref<128xf32, #tpu.memory_space<vmem>>
      %dma_start3A_962 = arith.constant 0 : i32
      %dma_start3A_963 = tpu.memref_slice %arg9[%dma_start3A_957, %dma_start3A_962] : memref<2x128xi32, #tpu.memory_space<vmem>> -> memref<1x128xi32, #tpu.memory_space<vmem>>
      %dma_start3A_964 = tpu.memref_squeeze %dma_start3A_963 : memref<1x128xi32, #tpu.memory_space<vmem>> -> memref<128xi32, #tpu.memory_space<vmem>>
      %dma_start3A_965 = arith.constant 0 : i32
      %dma_start3A_966 = tpu.memref_slice %arg4[%dma_start3A_965] : memref<262144xf32, #tpu.memory_space<hbm>> -> memref<262144xf32, #tpu.memory_space<hbm>>
      tpu.enqueue_indirect_dma source(%dma_start3A_966 : memref<262144xf32, #tpu.memory_space<hbm>>) target(%dma_start3A_961 : memref<128xf32, #tpu.memory_space<vmem>>) offsets(%dma_start3A_964 : memref<128xi32, #tpu.memory_space<vmem>>) semaphore(%arg16 : memref<!tpu.dma_semaphore, #tpu.memory_space<semaphore_mem>>)
      %dma_start3A_967 = arith.constant 1 : i32
      %dma_start3A_968 = arith.constant 1 : i32
      %dma_start3A_969 = arith.constant 0 : i32
      %dma_start3A_970 = tpu.memref_slice %arg11[%dma_start3A_968, %dma_start3A_969] : memref<2x128xf32, #tpu.memory_space<vmem>> -> memref<1x128xf32, #tpu.memory_space<vmem>>
      %dma_start3A_971 = tpu.memref_squeeze %dma_start3A_970 : memref<1x128xf32, #tpu.memory_space<vmem>> -> memref<128xf32, #tpu.memory_space<vmem>>
      %dma_start3A_972 = arith.constant 0 : i32
      %dma_start3A_973 = tpu.memref_slice %arg9[%dma_start3A_967, %dma_start3A_972] : memref<2x128xi32, #tpu.memory_space<vmem>> -> memref<1x128xi32, #tpu.memory_space<vmem>>
      %dma_start3A_974 = tpu.memref_squeeze %dma_start3A_973 : memref<1x128xi32, #tpu.memory_space<vmem>> -> memref<128xi32, #tpu.memory_space<vmem>>
      %dma_start3A_975 = arith.constant 0 : i32
      %dma_start3A_976 = tpu.memref_slice %arg4[%dma_start3A_975] : memref<262144xf32, #tpu.memory_space<hbm>> -> memref<262144xf32, #tpu.memory_space<hbm>>
      tpu.enqueue_indirect_dma source(%dma_start3A_976 : memref<262144xf32, #tpu.memory_space<hbm>>) target(%dma_start3A_971 : memref<128xf32, #tpu.memory_space<vmem>>) offsets(%dma_start3A_974 : memref<128xi32, #tpu.memory_space<vmem>>) semaphore(%arg16 : memref<!tpu.dma_semaphore, #tpu.memory_space<semaphore_mem>>)
      %dma_wait3A_977 = arith.constant 0 : i32
      %dma_wait3A_978 = arith.constant 0 : i32
      %dma_wait3A_979 = arith.constant 0 : i32
      %dma_wait3A_980 = tpu.memref_slice %arg11[%dma_wait3A_978, %dma_wait3A_979] : memref<2x128xf32, #tpu.memory_space<vmem>> -> memref<1x128xf32, #tpu.memory_space<vmem>>
      %dma_wait3A_981 = tpu.memref_squeeze %dma_wait3A_980 : memref<1x128xf32, #tpu.memory_space<vmem>> -> memref<128xf32, #tpu.memory_space<vmem>>
      %dma_wait3A_982 = arith.constant 0 : i32
      %dma_wait3A_983 = tpu.memref_slice %arg9[%dma_wait3A_977, %dma_wait3A_982] : memref<2x128xi32, #tpu.memory_space<vmem>> -> memref<1x128xi32, #tpu.memory_space<vmem>>
      %dma_wait3A_984 = tpu.memref_squeeze %dma_wait3A_983 : memref<1x128xi32, #tpu.memory_space<vmem>> -> memref<128xi32, #tpu.memory_space<vmem>>
      %dma_wait3A_985 = arith.constant 0 : i32
      %dma_wait3A_986 = tpu.memref_slice %arg4[%dma_wait3A_985] : memref<262144xf32, #tpu.memory_space<hbm>> -> memref<262144xf32, #tpu.memory_space<hbm>>
      tpu.wait_indirect_dma semaphore(%arg16 : memref<!tpu.dma_semaphore, #tpu.memory_space<semaphore_mem>>) src(%dma_wait3A_986 : memref<262144xf32, #tpu.memory_space<hbm>>) dst(%dma_wait3A_981 : memref<128xf32, #tpu.memory_space<vmem>>)
      %dma_wait3A_987 = arith.constant 1 : i32
      %dma_wait3A_988 = arith.constant 1 : i32
      %dma_wait3A_989 = arith.constant 0 : i32
      %dma_wait3A_990 = tpu.memref_slice %arg11[%dma_wait3A_988, %dma_wait3A_989] : memref<2x128xf32, #tpu.memory_space<vmem>> -> memref<1x128xf32, #tpu.memory_space<vmem>>
      %dma_wait3A_991 = tpu.memref_squeeze %dma_wait3A_990 : memref<1x128xf32, #tpu.memory_space<vmem>> -> memref<128xf32, #tpu.memory_space<vmem>>
      %dma_wait3A_992 = arith.constant 0 : i32
      %dma_wait3A_993 = tpu.memref_slice %arg9[%dma_wait3A_987, %dma_wait3A_992] : memref<2x128xi32, #tpu.memory_space<vmem>> -> memref<1x128xi32, #tpu.memory_space<vmem>>
      %dma_wait3A_994 = tpu.memref_squeeze %dma_wait3A_993 : memref<1x128xi32, #tpu.memory_space<vmem>> -> memref<128xi32, #tpu.memory_space<vmem>>
      %dma_wait3A_995 = arith.constant 0 : i32
      %dma_wait3A_996 = tpu.memref_slice %arg4[%dma_wait3A_995] : memref<262144xf32, #tpu.memory_space<hbm>> -> memref<262144xf32, #tpu.memory_space<hbm>>
      tpu.wait_indirect_dma semaphore(%arg16 : memref<!tpu.dma_semaphore, #tpu.memory_space<semaphore_mem>>) src(%dma_wait3A_996 : memref<262144xf32, #tpu.memory_space<hbm>>) dst(%dma_wait3A_991 : memref<128xf32, #tpu.memory_space<vmem>>)
    } else {
    }
    %get3A_497 = arith.constant 0 : index
    %get3A_498 = tpu.vector_load %arg14[%get3A_497] {strides = array<i32>} : memref<32xf32, #tpu.memory_space<vmem>>, vector<16xf32>,
    %get3A_499 = arith.constant 16 : index
    %get3A_500 = tpu.vector_load %arg14[%get3A_499] {strides = array<i32>} : memref<32xf32, #tpu.memory_space<vmem>>, vector<16xf32>,
    %get3A_501 = arith.constant 0 : i32
    %get3A_502 = arith.index_cast %get3A_501 : i32 to index
    %get3A_503 = arith.constant 0 : index
    %get3A_504 = tpu.vector_load %arg10[%get3A_502, %get3A_503] {strides = array<i32>} : memref<2x128xf32, #tpu.memory_space<vmem>>, vector<16xf32>,
    %mul3A_505 = arith.mulf %get3A_504, %get3A_498 : vector<16xf32>
    %get3A_506 = arith.constant 0 : i32
    %get3A_507 = arith.index_cast %get3A_506 : i32 to index
    %get3A_508 = arith.constant 0 : index
    %get3A_509 = tpu.vector_load %arg11[%get3A_507, %get3A_508] {strides = array<i32>} : memref<2x128xf32, #tpu.memory_space<vmem>>, vector<16xf32>,
    %mul3A_510 = arith.mulf %get3A_509, %get3A_500 : vector<16xf32>
    %add3A_511 = arith.addf %mul3A_505, %mul3A_510 : vector<16xf32>
    %swap3A_512 = arith.constant 0 : index
    %swap3A_513 = tpu.vector_load %arg12[%swap3A_512] {strides = array<i32>} : memref<256xf32, #tpu.memory_space<vmem>>, vector<16xf32>,
    tpu.vector_store %arg12[%swap3A_512], %add3A_511 {strides = array<i32>} : memref<256xf32, #tpu.memory_space<vmem>>, vector<16xf32>,
    %get3A_514 = arith.constant 0 : i32
    %get3A_515 = arith.index_cast %get3A_514 : i32 to index
    %get3A_516 = arith.constant 16 : index
    %get3A_517 = tpu.vector_load %arg10[%get3A_515, %get3A_516] {strides = array<i32>} : memref<2x128xf32, #tpu.memory_space<vmem>>, vector<16xf32>,
    %mul3A_518 = arith.mulf %get3A_517, %get3A_498 : vector<16xf32>
    %get3A_519 = arith.constant 0 : i32
    %get3A_520 = arith.index_cast %get3A_519 : i32 to index
    %get3A_521 = arith.constant 16 : index
    %get3A_522 = tpu.vector_load %arg11[%get3A_520, %get3A_521] {strides = array<i32>} : memref<2x128xf32, #tpu.memory_space<vmem>>, vector<16xf32>,
    %mul3A_523 = arith.mulf %get3A_522, %get3A_500 : vector<16xf32>
    %add3A_524 = arith.addf %mul3A_518, %mul3A_523 : vector<16xf32>
    %swap3A_525 = arith.constant 16 : index
    %swap3A_526 = tpu.vector_load %arg12[%swap3A_525] {strides = array<i32>} : memref<256xf32, #tpu.memory_space<vmem>>, vector<16xf32>,
    tpu.vector_store %arg12[%swap3A_525], %add3A_524 {strides = array<i32>} : memref<256xf32, #tpu.memory_space<vmem>>, vector<16xf32>,
    %get3A_527 = arith.constant 0 : i32
    %get3A_528 = arith.index_cast %get3A_527 : i32 to index
    %get3A_529 = arith.constant 32 : index
    %get3A_530 = tpu.vector_load %arg10[%get3A_528, %get3A_529] {strides = array<i32>} : memref<2x128xf32, #tpu.memory_space<vmem>>, vector<16xf32>,
    %mul3A_531 = arith.mulf %get3A_530, %get3A_498 : vector<16xf32>
    %get3A_532 = arith.constant 0 : i32
    %get3A_533 = arith.index_cast %get3A_532 : i32 to index
    %get3A_534 = arith.constant 32 : index
    %get3A_535 = tpu.vector_load %arg11[%get3A_533, %get3A_534] {strides = array<i32>} : memref<2x128xf32, #tpu.memory_space<vmem>>, vector<16xf32>,
    %mul3A_536 = arith.mulf %get3A_535, %get3A_500 : vector<16xf32>
    %add3A_537 = arith.addf %mul3A_531, %mul3A_536 : vector<16xf32>
    %swap3A_538 = arith.constant 32 : index
    %swap3A_539 = tpu.vector_load %arg12[%swap3A_538] {strides = array<i32>} : memref<256xf32, #tpu.memory_space<vmem>>, vector<16xf32>,
    tpu.vector_store %arg12[%swap3A_538], %add3A_537 {strides = array<i32>} : memref<256xf32, #tpu.memory_space<vmem>>, vector<16xf32>,
    %get3A_540 = arith.constant 0 : i32
    %get3A_541 = arith.index_cast %get3A_540 : i32 to index
    %get3A_542 = arith.constant 48 : index
    %get3A_543 = tpu.vector_load %arg10[%get3A_541, %get3A_542] {strides = array<i32>} : memref<2x128xf32, #tpu.memory_space<vmem>>, vector<16xf32>,
    %mul3A_544 = arith.mulf %get3A_543, %get3A_498 : vector<16xf32>
    %get3A_545 = arith.constant 0 : i32
    %get3A_546 = arith.index_cast %get3A_545 : i32 to index
    %get3A_547 = arith.constant 48 : index
    %get3A_548 = tpu.vector_load %arg11[%get3A_546, %get3A_547] {strides = array<i32>} : memref<2x128xf32, #tpu.memory_space<vmem>>, vector<16xf32>,
    %mul3A_549 = arith.mulf %get3A_548, %get3A_500 : vector<16xf32>
    %add3A_550 = arith.addf %mul3A_544, %mul3A_549 : vector<16xf32>
    %swap3A_551 = arith.constant 48 : index
    %swap3A_552 = tpu.vector_load %arg12[%swap3A_551] {strides = array<i32>} : memref<256xf32, #tpu.memory_space<vmem>>, vector<16xf32>,
    tpu.vector_store %arg12[%swap3A_551], %add3A_550 {strides = array<i32>} : memref<256xf32, #tpu.memory_space<vmem>>, vector<16xf32>,
    %get3A_553 = arith.constant 0 : i32
    %get3A_554 = arith.index_cast %get3A_553 : i32 to index
    %get3A_555 = arith.constant 64 : index
    %get3A_556 = tpu.vector_load %arg10[%get3A_554, %get3A_555] {strides = array<i32>} : memref<2x128xf32, #tpu.memory_space<vmem>>, vector<16xf32>,
    %mul3A_557 = arith.mulf %get3A_556, %get3A_498 : vector<16xf32>
    %get3A_558 = arith.constant 0 : i32
    %get3A_559 = arith.index_cast %get3A_558 : i32 to index
    %get3A_560 = arith.constant 64 : index
    %get3A_561 = tpu.vector_load %arg11[%get3A_559, %get3A_560] {strides = array<i32>} : memref<2x128xf32, #tpu.memory_space<vmem>>, vector<16xf32>,
    %mul3A_562 = arith.mulf %get3A_561, %get3A_500 : vector<16xf32>
    %add3A_563 = arith.addf %mul3A_557, %mul3A_562 : vector<16xf32>
    %swap3A_564 = arith.constant 64 : index
    %swap3A_565 = tpu.vector_load %arg12[%swap3A_564] {strides = array<i32>} : memref<256xf32, #tpu.memory_space<vmem>>, vector<16xf32>,
    tpu.vector_store %arg12[%swap3A_564], %add3A_563 {strides = array<i32>} : memref<256xf32, #tpu.memory_space<vmem>>, vector<16xf32>,
    %get3A_566 = arith.constant 0 : i32
    %get3A_567 = arith.index_cast %get3A_566 : i32 to index
    %get3A_568 = arith.constant 80 : index
    %get3A_569 = tpu.vector_load %arg10[%get3A_567, %get3A_568] {strides = array<i32>} : memref<2x128xf32, #tpu.memory_space<vmem>>, vector<16xf32>,
    %mul3A_570 = arith.mulf %get3A_569, %get3A_498 : vector<16xf32>
    %get3A_571 = arith.constant 0 : i32
    %get3A_572 = arith.index_cast %get3A_571 : i32 to index
    %get3A_573 = arith.constant 80 : index
    %get3A_574 = tpu.vector_load %arg11[%get3A_572, %get3A_573] {strides = array<i32>} : memref<2x128xf32, #tpu.memory_space<vmem>>, vector<16xf32>,
    %mul3A_575 = arith.mulf %get3A_574, %get3A_500 : vector<16xf32>
    %add3A_576 = arith.addf %mul3A_570, %mul3A_575 : vector<16xf32>
    %swap3A_577 = arith.constant 80 : index
    %swap3A_578 = tpu.vector_load %arg12[%swap3A_577] {strides = array<i32>} : memref<256xf32, #tpu.memory_space<vmem>>, vector<16xf32>,
    tpu.vector_store %arg12[%swap3A_577], %add3A_576 {strides = array<i32>} : memref<256xf32, #tpu.memory_space<vmem>>, vector<16xf32>,
    %get3A_579 = arith.constant 0 : i32
    %get3A_580 = arith.index_cast %get3A_579 : i32 to index
    %get3A_581 = arith.constant 96 : index
    %get3A_582 = tpu.vector_load %arg10[%get3A_580, %get3A_581] {strides = array<i32>} : memref<2x128xf32, #tpu.memory_space<vmem>>, vector<16xf32>,
    %mul3A_583 = arith.mulf %get3A_582, %get3A_498 : vector<16xf32>
    %get3A_584 = arith.constant 0 : i32
    %get3A_585 = arith.index_cast %get3A_584 : i32 to index
    %get3A_586 = arith.constant 96 : index
    %get3A_587 = tpu.vector_load %arg11[%get3A_585, %get3A_586] {strides = array<i32>} : memref<2x128xf32, #tpu.memory_space<vmem>>, vector<16xf32>,
    %mul3A_588 = arith.mulf %get3A_587, %get3A_500 : vector<16xf32>
    %add3A_589 = arith.addf %mul3A_583, %mul3A_588 : vector<16xf32>
    %swap3A_590 = arith.constant 96 : index
    %swap3A_591 = tpu.vector_load %arg12[%swap3A_590] {strides = array<i32>} : memref<256xf32, #tpu.memory_space<vmem>>, vector<16xf32>,
    tpu.vector_store %arg12[%swap3A_590], %add3A_589 {strides = array<i32>} : memref<256xf32, #tpu.memory_space<vmem>>, vector<16xf32>,
    %get3A_592 = arith.constant 0 : i32
    %get3A_593 = arith.index_cast %get3A_592 : i32 to index
    %get3A_594 = arith.constant 112 : index
    %get3A_595 = tpu.vector_load %arg10[%get3A_593, %get3A_594] {strides = array<i32>} : memref<2x128xf32, #tpu.memory_space<vmem>>, vector<16xf32>,
    %mul3A_596 = arith.mulf %get3A_595, %get3A_498 : vector<16xf32>
    %get3A_597 = arith.constant 0 : i32
    %get3A_598 = arith.index_cast %get3A_597 : i32 to index
    %get3A_599 = arith.constant 112 : index
    %get3A_600 = tpu.vector_load %arg11[%get3A_598, %get3A_599] {strides = array<i32>} : memref<2x128xf32, #tpu.memory_space<vmem>>, vector<16xf32>,
    %mul3A_601 = arith.mulf %get3A_600, %get3A_500 : vector<16xf32>
    %add3A_602 = arith.addf %mul3A_596, %mul3A_601 : vector<16xf32>
    %swap3A_603 = arith.constant 112 : index
    %swap3A_604 = tpu.vector_load %arg12[%swap3A_603] {strides = array<i32>} : memref<256xf32, #tpu.memory_space<vmem>>, vector<16xf32>,
    tpu.vector_store %arg12[%swap3A_603], %add3A_602 {strides = array<i32>} : memref<256xf32, #tpu.memory_space<vmem>>, vector<16xf32>,
    %get3A_605 = arith.constant 1 : i32
    %get3A_606 = arith.index_cast %get3A_605 : i32 to index
    %get3A_607 = arith.constant 0 : index
    %get3A_608 = tpu.vector_load %arg10[%get3A_606, %get3A_607] {strides = array<i32>} : memref<2x128xf32, #tpu.memory_space<vmem>>, vector<16xf32>,
    %mul3A_609 = arith.mulf %get3A_608, %get3A_498 : vector<16xf32>
    %get3A_610 = arith.constant 1 : i32
    %get3A_611 = arith.index_cast %get3A_610 : i32 to index
    %get3A_612 = arith.constant 0 : index
    %get3A_613 = tpu.vector_load %arg11[%get3A_611, %get3A_612] {strides = array<i32>} : memref<2x128xf32, #tpu.memory_space<vmem>>, vector<16xf32>,
    %mul3A_614 = arith.mulf %get3A_613, %get3A_500 : vector<16xf32>
    %add3A_615 = arith.addf %mul3A_609, %mul3A_614 : vector<16xf32>
    %swap3A_616 = arith.constant 128 : index
    %swap3A_617 = tpu.vector_load %arg12[%swap3A_616] {strides = array<i32>} : memref<256xf32, #tpu.memory_space<vmem>>, vector<16xf32>,
    tpu.vector_store %arg12[%swap3A_616], %add3A_615 {strides = array<i32>} : memref<256xf32, #tpu.memory_space<vmem>>, vector<16xf32>,
    %get3A_618 = arith.constant 1 : i32
    %get3A_619 = arith.index_cast %get3A_618 : i32 to index
    %get3A_620 = arith.constant 16 : index
    %get3A_621 = tpu.vector_load %arg10[%get3A_619, %get3A_620] {strides = array<i32>} : memref<2x128xf32, #tpu.memory_space<vmem>>, vector<16xf32>,
    %mul3A_622 = arith.mulf %get3A_621, %get3A_498 : vector<16xf32>
    %get3A_623 = arith.constant 1 : i32
    %get3A_624 = arith.index_cast %get3A_623 : i32 to index
    %get3A_625 = arith.constant 16 : index
    %get3A_626 = tpu.vector_load %arg11[%get3A_624, %get3A_625] {strides = array<i32>} : memref<2x128xf32, #tpu.memory_space<vmem>>, vector<16xf32>,
    %mul3A_627 = arith.mulf %get3A_626, %get3A_500 : vector<16xf32>
    %add3A_628 = arith.addf %mul3A_622, %mul3A_627 : vector<16xf32>
    %swap3A_629 = arith.constant 144 : index
    %swap3A_630 = tpu.vector_load %arg12[%swap3A_629] {strides = array<i32>} : memref<256xf32, #tpu.memory_space<vmem>>, vector<16xf32>,
    tpu.vector_store %arg12[%swap3A_629], %add3A_628 {strides = array<i32>} : memref<256xf32, #tpu.memory_space<vmem>>, vector<16xf32>,
    %get3A_631 = arith.constant 1 : i32
    %get3A_632 = arith.index_cast %get3A_631 : i32 to index
    %get3A_633 = arith.constant 32 : index
    %get3A_634 = tpu.vector_load %arg10[%get3A_632, %get3A_633] {strides = array<i32>} : memref<2x128xf32, #tpu.memory_space<vmem>>, vector<16xf32>,
    %mul3A_635 = arith.mulf %get3A_634, %get3A_498 : vector<16xf32>
    %get3A_636 = arith.constant 1 : i32
    %get3A_637 = arith.index_cast %get3A_636 : i32 to index
    %get3A_638 = arith.constant 32 : index
    %get3A_639 = tpu.vector_load %arg11[%get3A_637, %get3A_638] {strides = array<i32>} : memref<2x128xf32, #tpu.memory_space<vmem>>, vector<16xf32>,
    %mul3A_640 = arith.mulf %get3A_639, %get3A_500 : vector<16xf32>
    %add3A_641 = arith.addf %mul3A_635, %mul3A_640 : vector<16xf32>
    %swap3A_642 = arith.constant 160 : index
    %swap3A_643 = tpu.vector_load %arg12[%swap3A_642] {strides = array<i32>} : memref<256xf32, #tpu.memory_space<vmem>>, vector<16xf32>,
    tpu.vector_store %arg12[%swap3A_642], %add3A_641 {strides = array<i32>} : memref<256xf32, #tpu.memory_space<vmem>>, vector<16xf32>,
    %get3A_644 = arith.constant 1 : i32
    %get3A_645 = arith.index_cast %get3A_644 : i32 to index
    %get3A_646 = arith.constant 48 : index
    %get3A_647 = tpu.vector_load %arg10[%get3A_645, %get3A_646] {strides = array<i32>} : memref<2x128xf32, #tpu.memory_space<vmem>>, vector<16xf32>,
    %mul3A_648 = arith.mulf %get3A_647, %get3A_498 : vector<16xf32>
    %get3A_649 = arith.constant 1 : i32
    %get3A_650 = arith.index_cast %get3A_649 : i32 to index
    %get3A_651 = arith.constant 48 : index
    %get3A_652 = tpu.vector_load %arg11[%get3A_650, %get3A_651] {strides = array<i32>} : memref<2x128xf32, #tpu.memory_space<vmem>>, vector<16xf32>,
    %mul3A_653 = arith.mulf %get3A_652, %get3A_500 : vector<16xf32>
    %add3A_654 = arith.addf %mul3A_648, %mul3A_653 : vector<16xf32>
    %swap3A_655 = arith.constant 176 : index
    %swap3A_656 = tpu.vector_load %arg12[%swap3A_655] {strides = array<i32>} : memref<256xf32, #tpu.memory_space<vmem>>, vector<16xf32>,
    tpu.vector_store %arg12[%swap3A_655], %add3A_654 {strides = array<i32>} : memref<256xf32, #tpu.memory_space<vmem>>, vector<16xf32>,
    %get3A_657 = arith.constant 1 : i32
    %get3A_658 = arith.index_cast %get3A_657 : i32 to index
    %get3A_659 = arith.constant 64 : index
    %get3A_660 = tpu.vector_load %arg10[%get3A_658, %get3A_659] {strides = array<i32>} : memref<2x128xf32, #tpu.memory_space<vmem>>, vector<16xf32>,
    %mul3A_661 = arith.mulf %get3A_660, %get3A_498 : vector<16xf32>
    %get3A_662 = arith.constant 1 : i32
    %get3A_663 = arith.index_cast %get3A_662 : i32 to index
    %get3A_664 = arith.constant 64 : index
    %get3A_665 = tpu.vector_load %arg11[%get3A_663, %get3A_664] {strides = array<i32>} : memref<2x128xf32, #tpu.memory_space<vmem>>, vector<16xf32>,
    %mul3A_666 = arith.mulf %get3A_665, %get3A_500 : vector<16xf32>
    %add3A_667 = arith.addf %mul3A_661, %mul3A_666 : vector<16xf32>
    %swap3A_668 = arith.constant 192 : index
    %swap3A_669 = tpu.vector_load %arg12[%swap3A_668] {strides = array<i32>} : memref<256xf32, #tpu.memory_space<vmem>>, vector<16xf32>,
    tpu.vector_store %arg12[%swap3A_668], %add3A_667 {strides = array<i32>} : memref<256xf32, #tpu.memory_space<vmem>>, vector<16xf32>,
    %get3A_670 = arith.constant 1 : i32
    %get3A_671 = arith.index_cast %get3A_670 : i32 to index
    %get3A_672 = arith.constant 80 : index
    %get3A_673 = tpu.vector_load %arg10[%get3A_671, %get3A_672] {strides = array<i32>} : memref<2x128xf32, #tpu.memory_space<vmem>>, vector<16xf32>,
    %mul3A_674 = arith.mulf %get3A_673, %get3A_498 : vector<16xf32>
    %get3A_675 = arith.constant 1 : i32
    %get3A_676 = arith.index_cast %get3A_675 : i32 to index
    %get3A_677 = arith.constant 80 : index
    %get3A_678 = tpu.vector_load %arg11[%get3A_676, %get3A_677] {strides = array<i32>} : memref<2x128xf32, #tpu.memory_space<vmem>>, vector<16xf32>,
    %mul3A_679 = arith.mulf %get3A_678, %get3A_500 : vector<16xf32>
    %add3A_680 = arith.addf %mul3A_674, %mul3A_679 : vector<16xf32>
    %swap3A_681 = arith.constant 208 : index
    %swap3A_682 = tpu.vector_load %arg12[%swap3A_681] {strides = array<i32>} : memref<256xf32, #tpu.memory_space<vmem>>, vector<16xf32>,
    tpu.vector_store %arg12[%swap3A_681], %add3A_680 {strides = array<i32>} : memref<256xf32, #tpu.memory_space<vmem>>, vector<16xf32>,
    %get3A_683 = arith.constant 1 : i32
    %get3A_684 = arith.index_cast %get3A_683 : i32 to index
    %get3A_685 = arith.constant 96 : index
    %get3A_686 = tpu.vector_load %arg10[%get3A_684, %get3A_685] {strides = array<i32>} : memref<2x128xf32, #tpu.memory_space<vmem>>, vector<16xf32>,
    %mul3A_687 = arith.mulf %get3A_686, %get3A_498 : vector<16xf32>
    %get3A_688 = arith.constant 1 : i32
    %get3A_689 = arith.index_cast %get3A_688 : i32 to index
    %get3A_690 = arith.constant 96 : index
    %get3A_691 = tpu.vector_load %arg11[%get3A_689, %get3A_690] {strides = array<i32>} : memref<2x128xf32, #tpu.memory_space<vmem>>, vector<16xf32>,
    %mul3A_692 = arith.mulf %get3A_691, %get3A_500 : vector<16xf32>
    %add3A_693 = arith.addf %mul3A_687, %mul3A_692 : vector<16xf32>
    %swap3A_694 = arith.constant 224 : index
    %swap3A_695 = tpu.vector_load %arg12[%swap3A_694] {strides = array<i32>} : memref<256xf32, #tpu.memory_space<vmem>>, vector<16xf32>,
    tpu.vector_store %arg12[%swap3A_694], %add3A_693 {strides = array<i32>} : memref<256xf32, #tpu.memory_space<vmem>>, vector<16xf32>,
    %get3A_696 = arith.constant 1 : i32
    %get3A_697 = arith.index_cast %get3A_696 : i32 to index
    %get3A_698 = arith.constant 112 : index
    %get3A_699 = tpu.vector_load %arg10[%get3A_697, %get3A_698] {strides = array<i32>} : memref<2x128xf32, #tpu.memory_space<vmem>>, vector<16xf32>,
    %mul3A_700 = arith.mulf %get3A_699, %get3A_498 : vector<16xf32>
    %get3A_701 = arith.constant 1 : i32
    %get3A_702 = arith.index_cast %get3A_701 : i32 to index
    %get3A_703 = arith.constant 112 : index
    %get3A_704 = tpu.vector_load %arg11[%get3A_702, %get3A_703] {strides = array<i32>} : memref<2x128xf32, #tpu.memory_space<vmem>>, vector<16xf32>,
    %mul3A_705 = arith.mulf %get3A_704, %get3A_500 : vector<16xf32>
    %add3A_706 = arith.addf %mul3A_700, %mul3A_705 : vector<16xf32>
    %swap3A_707 = arith.constant 240 : index
    %swap3A_708 = tpu.vector_load %arg12[%swap3A_707] {strides = array<i32>} : memref<256xf32, #tpu.memory_space<vmem>>, vector<16xf32>,
    tpu.vector_store %arg12[%swap3A_707], %add3A_706 {strides = array<i32>} : memref<256xf32, #tpu.memory_space<vmem>>, vector<16xf32>,
    "tpu.region"() ({
      %run_scoped3A = tpu.sem_alloc : memref<!tpu.dma_semaphore, #tpu.memory_space<semaphore_mem>>
      %dma_start3A_709 = tpu.memref_slice %arg6[%mul3A_2] : memref<4096xf32, #tpu.memory_space<hbm>> -> memref<256xf32, #tpu.memory_space<hbm>>
      %dma_start3A_710 = tpu.memref_slice %arg6[%mul3A_2] : memref<4096xf32, #tpu.memory_space<hbm>> -> memref<256xf32, #tpu.memory_space<hbm>>
      tpu.enqueue_dma source(%arg12 : memref<256xf32, #tpu.memory_space<vmem>>) target(%dma_start3A_710 : memref<256xf32, #tpu.memory_space<hbm>>) target_semaphore(%run_scoped3A : memref<!tpu.dma_semaphore, #tpu.memory_space<semaphore_mem>>)
      %dma_wait3A_711 = tpu.memref_slice %arg6[%mul3A_2] : memref<4096xf32, #tpu.memory_space<hbm>> -> memref<256xf32, #tpu.memory_space<hbm>>
      %dma_wait3A_712 = tpu.memref_slice %arg6[%mul3A_2] : memref<4096xf32, #tpu.memory_space<hbm>> -> memref<256xf32, #tpu.memory_space<hbm>>
      tpu.wait_dma2 semaphore(%run_scoped3A : memref<!tpu.dma_semaphore, #tpu.memory_space<semaphore_mem>>) src(%arg12 : memref<256xf32, #tpu.memory_space<vmem>>) dst(%dma_wait3A_712 : memref<256xf32, #tpu.memory_space<hbm>>)
      tpu.yield
    }) : () -> ()
    return
  }
}

</mosaic_0001>

<sc_bundles>
// kernel: kernel.3.cloned.1.call-start
scs
__scs_entry_jumppad:
0x0: {  	(pc) =	sbr.rel $0x88, $3  }
0x1: {  	(tag) =	ssettag $0x0;
	lr =	simm.s32 $0x1  }
0x2: {  	[smem:$0x3F9D] =	sst lr;
	_ =	strace $0xD0000000  }
0x3: {  	_ = 	snop  }
0x4: {  	_ = 	snop  }
0x5: {  	_ = 	snop  }
0x6: {  	_ = 	snop  }
0x7: {  	_ = 	snop  }
__scs_overlays_trampoline_lowered:
0x8: {  	[smem:$0x3FAC] =	sst s0  }
0x9: {  	[smem:$0x3FAD] =	sst s1  }
0xa: {  	[smem:$0x3FAE] =	sst s2  }
0xb: {  	[smem:$0x3FAF] =	sst s3  }
0xc: {  	[smem:$0x3FB0] =	sst s4  }
0xd: {  	[smem:$0x3FB1] =	sst s5  }
0xe: {  	[smem:$0x3FB2] =	sst s6  }
0xf: {  	[smem:$0x3FB3] =	sst s7  }
0x10: {  	[smem:$0x3FB4] =	sst s8  }
0x11: {  	[smem:$0x3FB5] =	sst s9;
	s0 =	simm.s32 @!p0 $0x0  }
0x12: {  	s1 =	sld [smem:$0x3F9B];
	s0 =	simm.s32 @p0 $0x1  }
0x13: {  	[smem:$0x3FB6] =	sst s0;
	s0 =	simm.s32 @!p1 $0x0  }
0x14: {  	s2 =	sld [smem:$0x3F9A];
	s0 =	simm.s32 @p1 $0x1  }
0x15: {  	[smem:$0x3FB7] =	sst s0;
	s0 =	simm.s32 @!p2 $0x0  }
0x16: {  	s3 =	sld [smem:$0x3FDB];
	s0 =	simm.s32 @p2 $0x1  }
0x17: {  	s4 =	simm.s32 $0x1BF5;
	[smem:$0x3FB9] =	sst s0  }
0x18: {  	s0 =	sld [smem:$0x3F9C];
	_ =	swait.ge [sflag:s4], $0x0  }
0x19: {  	s7 =	sld [smem:$0x3F9D]  }
0x1a: {  	s8 =	sadd.s32 $0xFFFFE003, lr  }
0x1b: {  	s9 =	sadd.s32 $0xFFFFFEF7, lr;
	s5 =	simm.s32 $0xFFFFFFFF;
	p2 =	slt.u32 s8, $0xFFFFF086  }
0x1c: {  	p1 =	slt.u32 s9, $0xF7A;
	s5 =	simm.s32 @!p2 $0x0  }
0x1d: {  	s5 =	simm.s32 @p1 $0x1;
	p0 =	seq.s32 s7, s2  }
0x1e: {  	s7 =	smul.u32 @!p0 $0xF7A, s2;
	p2 =	seq.s32 @!p0 s5, $0x0  }
0x1f: {  	s9 =	smul.u32 $0xF7A, s1;
	s8 =	simm.s32 @!p0 $0x1BF5;
	p2 =	por !p2, p0  }
0x20: {  	[sflag:s8] =	ssyncset.s32 @!p0 $0xFFFFF086;
	s6 =	sadd.s32 @!p0 s3, s7;
	s7 =	simm.s32 @!p0 $0x108  }
0x21: {  	s3 =	sadd.s32 s3, s9;
	s6 =	sadd.s32 @!p0 $0x88, s6;
	s7 =	simm.s32 @p2 $0x1082  }
0x22: {  	[simem:s7], [sflag:s8] =	dma.local @!p0 [hbm:s6], $0xF7A  }
0x23: {  	s9 =	sor.u32 $0xD0000000, s2;
	s6 =	simm.s32 $0x108;
	_ =	swait.ge @!p0 [sflag:s8], $0x0  }
0x24: {  	s3 =	sadd.s32 $0x88, s3;
	s6 =	simm.s32 @!p1 $0x1082;
	[sflag:s4] =	ssyncset.s32 $0xFFFFF086  }
0x25: {  	[simem:s6], [sflag:s4] =	dma.local [hbm:s3], $0xF7A  }
0x26: {  	[smem:$0x3F9D] =	sst s1;
	(tag) =	ssettag s2;
	_ =	strace s9  }
0x27: {  	s1 =	sld [smem:$0x3FAD]  }
0x28: {  	s2 =	sld [smem:$0x3FAE]  }
0x29: {  	s4 =	sld [smem:$0x3FB0]  }
0x2a: {  	p0 =	seq.s32 s5, $0x0;
	s5 =	sld [smem:$0x3FB1]  }
0x2b: {  	s6 =	sld [smem:$0x3FB2]  }
0x2c: {  	s7 =	sld [smem:$0x3FB3]  }
0x2d: {  	s3 =	simm.s32 $0x108;
	s8 =	sld [smem:$0x3FB4]  }
0x2e: {  	s3 =	simm.s32 @!p0 $0x1082;
	s9 =	sld [smem:$0x3FB5]  }
0x2f: {  	lr =	sadd.s32 s0, s3;
	s0 =	sld [smem:$0x3FAC]  }
0x30: {  	s3 =	sld [smem:$0x3FAF]  }
0x31: {  	[smem:$0x3FB8] =	sst s10  }
0x32: {  	s10 =	sld [smem:$0x3FB6];
	_ =	sdelay $0x3  }
0x33: {  	p0 =	seq.s32 s10, $0x1;
	s10 =	sld [smem:$0x3FB8];
	_ =	sdelay $0x3  }
0x34: {  	[smem:$0x3FB8] =	sst s10  }
0x35: {  	s10 =	sld [smem:$0x3FB7];
	_ =	sdelay $0x3  }
0x36: {  	p1 =	seq.s32 s10, $0x1;
	s10 =	sld [smem:$0x3FB8];
	_ =	sdelay $0x3  }
0x37: {  	[smem:$0x3FB8] =	sst s10  }
0x38: {  	s10 =	sld [smem:$0x3FB9]  }
0x39: {  	_ = 	snop;
	(pc) =	sbr.ind lr, $3  }
0x3a: {  	_ = 	snop  }
0x3b: {  	_ = 	snop  }
0x3c: {  	p2 =	seq.s32 s10, $0x1;
	s10 =	sld [smem:$0x3FB8]  }
0x3d: {  	_ =	shalt  }
0x3e: {  	_ =	shalt  }
0x3f: {  	_ =	shalt  }
0x40: {  	_ =	shalt  }
0x41: {  	_ =	shalt  }
0x42: {  	_ =	shalt  }
0x43: {  	_ =	shalt  }
0x44: {  	_ =	shalt  }
0x45: {  	_ =	shalt  }
0x46: {  	_ =	shalt  }
0x47: {  	_ =	shalt  }
0x48: {  	_ =	shalt  }
0x49: {  	_ =	shalt  }
0x4a: {  	_ =	shalt  }
0x4b: {  	_ =	shalt  }
0x4c: {  	_ =	shalt  }
0x4d: {  	_ =	shalt  }
0x4e: {  	_ =	shalt  }
0x4f: {  	_ =	shalt  }
0x50: {  	_ =	shalt  }
0x51: {  	_ =	shalt  }
0x52: {  	_ =	shalt  }
0x53: {  	_ =	shalt  }
0x54: {  	_ =	shalt  }
0x55: {  	_ =	shalt  }
0x56: {  	_ =	shalt  }
0x57: {  	_ =	shalt  }
0x58: {  	_ =	shalt  }
0x59: {  	_ =	shalt  }
0x5a: {  	_ =	shalt  }
0x5b: {  	_ =	shalt  }
0x5c: {  	_ =	shalt  }
0x5d: {  	_ =	shalt  }
0x5e: {  	_ =	shalt  }
0x5f: {  	_ =	shalt  }
0x60: {  	_ =	shalt  }
0x61: {  	_ =	shalt  }
0x62: {  	_ =	shalt  }
0x63: {  	_ =	shalt  }
0x64: {  	_ =	shalt  }
0x65: {  	_ =	shalt  }
0x66: {  	_ =	shalt  }
0x67: {  	_ =	shalt  }
0x68: {  	_ =	shalt  }
0x69: {  	_ =	shalt  }
0x6a: {  	_ =	shalt  }
0x6b: {  	_ =	shalt  }
0x6c: {  	_ =	shalt  }
0x6d: {  	_ =	shalt  }
0x6e: {  	_ =	shalt  }
0x6f: {  	_ =	shalt  }
0x70: {  	_ =	shalt  }
0x71: {  	_ =	shalt  }
0x72: {  	_ =	shalt  }
0x73: {  	_ =	shalt  }
0x74: {  	_ =	shalt  }
0x75: {  	_ =	shalt  }
0x76: {  	_ =	shalt  }
0x77: {  	_ =	shalt  }
0x78: {  	_ =	shalt  }
0x79: {  	_ =	shalt  }
0x7a: {  	_ =	shalt  }
0x7b: {  	_ =	shalt  }
0x7c: {  	_ =	shalt  }
0x7d: {  	_ =	shalt  }
0x7e: {  	_ =	shalt  }
0x7f: {  	_ =	shalt  }
0x80: {  	_ =	shalt  }
0x81: {  	_ =	shalt  }
0x82: {  	_ =	shalt  }
0x83: {  	_ =	shalt  }
0x84: {  	_ =	shalt  }
0x85: {  	_ =	shalt  }
0x86: {  	_ =	shalt  }
0x87: {  	_ =	shalt  }
.Lfunc_end0:
.L_simem_size_0:
called_computation_lowered:
.L_overlay_start_0:
0x88: {  	s0 =	sld [smem:$0x3FD9]  }
0x89: {  	s1 =	sld [smem:$0x3FFE];
	_ =	sdelay $0x3  }
0x8a: {  	s0 =	sadd.s32 s1, s0  }
0x8b: {  	[smem:$0x3FC4] =	sst s0  }
0x8c: {  	_ = 	snop  }
0x8d: {  	s0 =	sld [smem:$0x3FC9]  }
0x8e: {  	s16 =	sld [smem:$0x3FC8]  }
0x8f: {  	s2 =	sld [smem:$0x3FC7]  }
0x90: {  	s3 =	sld [smem:$0x3FD0];
	(tm) =	ssettm $0x1  }
0x91: {  	s4 =	sld [smem:$0x3FFB];
	_ =	sdelay $0x3  }
0x92: {  	_ =	strace s4  }
0x93: {  	s4 =	sld [smem:$0x3FFC];
	_ =	sdelay $0x3  }
0x94: {  	_ =	strace s4  }
0x95: {  	s4 =	sld [smem:$0x3FFD];
	_ =	sdelay $0x3  }
0x96: {  	_ =	strace s4  }
0x97: {  	_ =	strace $0x8FFFFFFF  }
0x98: {  	s17 =	sld [smem:$0x3FDB];
	_ =	sdelay $0x1  }
0x99: {  	s5 =	simm.s32 $_scs_section_size  }
0x9a: {  	s6 =	simm.s32 $_size__tile_overlayer_lowered;
	s7 =	simm.s32 $_tile_overlayer_lowered  }
0x9b: {  	s20 =	simm.s32 $0x1BFF;
	s19 =	sshll.u32 s7, $0x1;
	s4 =	sadd.s32 s5, s17  }
0x9c: {  	s8 =	simm.s32 $0x0;
	s18 =	sshll.u32 s6, $0x1;
	s6 =	sadd.s32 s19, s4  }
0x9d: {  	[timem:s8], [sflag:s20] =	dma.local [hbm:s6], s18  }
0x9e: {  	_ =	swait.ge [sflag:s20], s18  }
0x9f: {  	s5 =	ssub.s32 $0x0, s18;
	[sflag:s20] =	ssyncset.done $0x0  }
0xa0: {  	[sflag:s20] =	ssyncadd.s32 s5;
	_ =	sdelay $0x1  }
0xa1: {  	s21 =	simm.s32 $0x1B8B  }
0xa2: {  	_ =	swait.ge [sflag:s21], $0x1  }
0xa3: {  	[sflag:s21] =	ssyncset.done $0x0  }
0xa4: {  	s23 =	simm.s32 $0x1B8E;
	s22 =	sld [smem:$0x3FFE];
	[sflag:s21] =	ssyncadd.s32 $0xFFFFFFFF  }
0xa5: {  	s24 =	simm.s32 $execute0_lowered;
	[smem:$0x3FD2] =	sst s23  }
0xa6: {  	s6 =	sshll.u32 s24, $0x1;
	_ =	strace $0x80000046;
	[dreg:$0x1] =	wrdreg $0xFFFFFFFF  }
0xa7: {  	s25 =	simm.s32 $_size_execute0_lowered;
	s4 =	sadd.s32 s4, s6;
	[dreg:$0x0] =	wrdreg $0x0  }
0xa8: {  	s6 =	sshll.u32 s25, $0x1;
	[dreg:$0x2] =	wrdreg s4  }
0xa9: {  	[dreg:$0x3] =	wrdreg s6  }
0xaa: {  	[dreg:$0x4] =	wrdreg $0xC0  }
0xab: {  	_ =	task [dreg:s8], $0x5FFFF  }
0xac: {  	[dreg:$0x1] =	wrdreg $0xFFFFFFFF  }
0xad: {  	[dreg:$0x0] =	wrdreg $0x60  }
0xae: {  	[dreg:$0x2] =	wrdreg s0  }
0xaf: {  	[dreg:$0x3] =	wrdreg s16  }
0xb0: {  	[dreg:$0x4] =	wrdreg s2  }
0xb1: {  	[dreg:$0x5] =	wrdreg s22  }
0xb2: {  	[dreg:$0x6] =	wrdreg s3  }
0xb3: {  	[dreg:$0x7] =	wrdreg $0x9  }
0xb4: {  	_ =	task.clear_ibuf [dreg:s8], $0x8FFFF;
	_ =	strace $0x90000046  }
0xb5: {  	s26 =	simm.s32 $0x9;
	_ =	strace $0x80000048  }
0xb6: {  	_ =	swait.ge [sflag:s26], $0x1  }
0xb7: {  	[sflag:s26] =	ssyncadd.s32 $0xFFFFFFFF  }
0xb8: {  	_ =	strace $0x90000048  }
0xb9: {  	_ =	sfence  }
0xba: {  	s28 =	sld [smem:$0x0];
	_ =	sdelay $0x1  }
0xbb: {  	s29 =	srdreg.scid  }
0xbc: {  	s30 =	sshll.u32 s29, $0xD;
	s31 =	sshrl.u32 s29, $0x2  }
0xbd: {  	s1 =	sand.u32 $0x1, s29;
	s2 =	sand.u32 $0x4000, s30;
	s0 =	sadd.s32 s31, s28  }
0xbe: {  	s1 =	sor.u32 s2, s1;
	s0 =	sshll.u32 s0, $0x11  }
0xbf: {  	s0 =	sor.u32 s0, s1  }
0xc0: {  	s0 =	sadd.s32 $0x8F2B, s0  }
0xc1: {  	[sflag:s0] =	ssyncadd.remote.s32 $0x1  }
0xc2: {  	_ =	sfence.sel $0xFFFF  }
0xc3: {  	[dreg:$0x0] =	wrdreg $0xFFFFFFFF;
	(pc) =	sbr.abs _section_cstart, $3  }
0xc4: {  	[dreg:$0x1] =	wrdreg $0xFFFFFFFF  }
0xc5: {  	_ =	task.clear_ibuf [dreg:s8], $0x2FFFF;
	_ =	strace $0x9FFFFFFF  }
0xc6: {  	(tm) =	ssettm $0x7FFFFFFF  }
0xc7: {  	_ =	shalt  }
tec
execute0_lowered:
.L_overlay_start_1:
0x0: {  	(tag) =	ssettag $0x1  }
0x1: {  	s6 =	rddreg [dreg:$0x0]  }
0x2: {  	s5 =	rddreg [dreg:$0x1]  }
0x3: {  	s3 =	rddreg [dreg:$0x2]  }
0x4: {  	s8 =	rddreg [dreg:$0x3]  }
0x5: {  	s4 =	rddreg [dreg:$0x4]  }
0x6: {  	s0 =	rddreg [dreg:$0x5];
	s2 =	simm.s32 $0x0;
	s1 =	stileid.u32  }
0x7: {  	v0 =	vlaneseq.u32;
	[smem:$0x7FF] =	sst s2;
	s7 =	sshll.u32 s1, $0x8  }
0x8: {  	s10 =	simm.s32 $0x600;
	v2 =	vmul.u32 $0x2000, v0;
	_ =	strace $0x80000047;
	v1 =	vmov s7;
	s9 =	sor.u32 $0x10, s7  }
0x9: {  	v1 =	vshll.u32 v1, $0xD;
	[tilespmem:s10], [sflag:$0x2] =	stream.linear.gather [hbm4b:s5+s2], $0x80, $0x38;
	[tilespmem:$0x780] =	vst v63  }
0xa: {  	s31 =	simm.s32 $0x680;
	s29 =	sadd.s32 $0x400, s8;
	s30 =	sor.u32 $0x20, s7;
	v3 =	vmov s9;
	v1 =	vor.u32 v2, v1  }
0xb: {  	v3 =	vshll.u32 v3, $0xD;
	v4 =	vor.u32 $0x1F7F, v1;
	[tilespmem:s31], [sflag:$0x2] =	stream.linear.gather [hbm4b:s29+s2], $0x80, $0x38;
	[tilespmem:$0x780] =	vst v63  }
0xc: {  	v5 =	vmov s30;
	v1 =	vor.u32 $0x1FFF, v1;
	v3 =	vor.u32 v2, v3;
	[tilespmem:$0x0] =	vst v4  }
0xd: {  	s10 =	sor.u32 $0x30, s7;
	v5 =	vshll.u32 v5, $0xD;
	v40 =	vor.u32 $0x1F7F, v3;
	[tilespmem:$0x100] =	vst v1  }
0xe: {  	v43 =	vmov s10;
	v42 =	vor.u32 v2, v5;
	v41 =	vor.u32 $0x1FFF, v3;
	[tilespmem:$0x10] =	vst v40  }
0xf: {  	s11 =	sor.u32 $0x40, s7;
	v5 =	vshll.u32 v43, $0xD;
	v44 =	vor.u32 $0x1F7F, v42;
	[tilespmem:$0x110] =	vst v41  }
0x10: {  	v47 =	vmov s11;
	v45 =	vor.u32 $0x1FFF, v42;
	v46 =	vor.u32 v2, v5;
	[tilespmem:$0x20] =	vst v44  }
0x11: {  	s12 =	sor.u32 $0x50, s7;
	v5 =	vshll.u32 v47, $0xD;
	v48 =	vor.u32 $0x1F7F, v46;
	[tilespmem:$0x120] =	vst v45  }
0x12: {  	v51 =	vmov s12;
	v49 =	vor.u32 $0x1FFF, v46;
	v50 =	vor.u32 v2, v5;
	[tilespmem:$0x30] =	vst v48  }
0x13: {  	s13 =	sor.u32 $0x60, s7;
	v5 =	vshll.u32 v51, $0xD;
	v52 =	vor.u32 $0x1F7F, v50;
	[tilespmem:$0x130] =	vst v49  }
0x14: {  	v55 =	vmov s13;
	v53 =	vor.u32 $0x1FFF, v50;
	v54 =	vor.u32 v2, v5;
	[tilespmem:$0x40] =	vst v52  }
0x15: {  	s14 =	sor.u32 $0x70, s7;
	v5 =	vshll.u32 v55, $0xD;
	v56 =	vor.u32 $0x1F7F, v54;
	[tilespmem:$0x140] =	vst v53  }
0x16: {  	v59 =	vmov s14;
	v57 =	vor.u32 $0x1FFF, v54;
	v58 =	vor.u32 v2, v5;
	[tilespmem:$0x50] =	vst v56  }
0x17: {  	s5 =	sor.u32 $0x80, s7;
	v5 =	vshll.u32 v59, $0xD;
	v60 =	vor.u32 $0x1F7F, v58;
	[tilespmem:$0x150] =	vst v57  }
0x18: {  	v63 =	vmov s5;
	v61 =	vor.u32 $0x1FFF, v58;
	v62 =	vor.u32 v2, v5;
	[tilespmem:$0x60] =	vst v60  }
0x19: {  	s15 =	sor.u32 $0x90, s7;
	v5 =	vshll.u32 v63, $0xD;
	v8 =	vor.u32 $0x1F7F, v62;
	[tilespmem:$0x160] =	vst v61  }
0x1a: {  	v11 =	vmov s15;
	v9 =	vor.u32 $0x1FFF, v62;
	v10 =	vor.u32 v2, v5;
	[tilespmem:$0x70] =	vst v8  }
0x1b: {  	s16 =	sor.u32 $0xA0, s7;
	v5 =	vshll.u32 v11, $0xD;
	v12 =	vor.u32 $0x1F7F, v10;
	[tilespmem:$0x170] =	vst v9  }
0x1c: {  	v15 =	vmov s16;
	v13 =	vor.u32 $0x1FFF, v10;
	v14 =	vor.u32 v2, v5;
	[tilespmem:$0x80] =	vst v12  }
0x1d: {  	s17 =	sor.u32 $0xB0, s7;
	v5 =	vshll.u32 v15, $0xD;
	v16 =	vor.u32 $0x1F7F, v14;
	[tilespmem:$0x180] =	vst v13  }
0x1e: {  	v19 =	vmov s17;
	v17 =	vor.u32 $0x1FFF, v14;
	v18 =	vor.u32 v2, v5;
	[tilespmem:$0x90] =	vst v16  }
0x1f: {  	s18 =	sor.u32 $0xC0, s7;
	v5 =	vshll.u32 v19, $0xD;
	v20 =	vor.u32 $0x1F7F, v18;
	[tilespmem:$0x190] =	vst v17  }
0x20: {  	v23 =	vmov s18;
	v21 =	vor.u32 $0x1FFF, v18;
	v22 =	vor.u32 v2, v5;
	[tilespmem:$0xA0] =	vst v20  }
0x21: {  	s19 =	sor.u32 $0xD0, s7;
	v5 =	vshll.u32 v23, $0xD;
	v24 =	vor.u32 $0x1F7F, v22;
	[tilespmem:$0x1A0] =	vst v21  }
0x22: {  	v27 =	vmov s19;
	v25 =	vor.u32 $0x1FFF, v22;
	v26 =	vor.u32 v2, v5;
	[tilespmem:$0xB0] =	vst v24  }
0x23: {  	s20 =	sor.u32 $0xE0, s7;
	v5 =	vshll.u32 v27, $0xD;
	v28 =	vor.u32 $0x1F7F, v26;
	[tilespmem:$0x1B0] =	vst v25  }
0x24: {  	v31 =	vmov s20;
	v29 =	vor.u32 $0x1FFF, v26;
	v30 =	vor.u32 v2, v5;
	[tilespmem:$0xC0] =	vst v28  }
0x25: {  	s7 =	sor.u32 $0xF0, s7;
	v5 =	vshll.u32 v31, $0xD;
	v32 =	vor.u32 $0x1F7F, v30;
	[tilespmem:$0x1C0] =	vst v29  }
0x26: {  	v35 =	vmov s7;
	v33 =	vor.u32 $0x1FFF, v30;
	v34 =	vor.u32 v2, v5;
	[tilespmem:$0xD0] =	vst v32  }
0x27: {  	v5 =	vshll.u32 v35, $0xD;
	v36 =	vor.u32 $0x1F7F, v34;
	[tilespmem:$0x1D0] =	vst v33  }
0x28: {  	v37 =	vor.u32 $0x1FFF, v34;
	v2 =	vor.u32 v2, v5;
	[tilespmem:$0xE0] =	vst v36  }
0x29: {  	v38 =	vor.u32 $0x1F7F, v2;
	[tilespmem:$0x1E0] =	vst v37  }
0x2a: {  	v39 =	vor.u32 $0x1FFF, v2;
	[tilespmem:$0xF0] =	vst v38  }
0x2b: {  	s21 =	simm.s32 $0x300;
	s7 =	simm.s32 $0x80;
	[tilespmem:$0x1F0] =	vst v39  }
0x2c: {  	[tilespmem:s21], [sflag:$0x1] =	stream.indirect.gather [hbm4b:s6+s7], $0x1, s2, s7, $0xb8;
	[tilespmem:$0x780] =	vst v63  }
0x2d: {  	s22 =	simm.s32 $0x100;
	s8 =	simm.s32 $0x400  }
0x2e: {  	[tilespmem:s8], [sflag:$0x1] =	stream.indirect.gather [hbm4b:s6+s7], $0x1, s22, s7, $0xb8;
	[tilespmem:$0x780] =	vst v63  }
0x2f: {  	s23 =	simm.s32 $0x380  }
0x30: {  	[tilespmem:s23], [sflag:$0x1] =	stream.indirect.gather [hbm4b:s6+s7], $0x1, s7, s7, $0xb8;
	[tilespmem:$0x780] =	vst v63  }
0x31: {  	s24 =	simm.s32 $0x180;
	s25 =	simm.s32 $0x2;
	s9 =	simm.s32 $0x480  }
0x32: {  	[tilespmem:s9], [sflag:$0x1] =	stream.indirect.gather [hbm4b:s6+s7], $0x1, s24, s7, $0xb8;
	[tilespmem:$0x780] =	vst v63  }
0x33: {  	_ =	swait.ge [sflag:s25], $0x80  }
0x34: {  	[sflag:s25] =	ssyncset.done $0x0  }
0x35: {  	[sflag:s25] =	ssyncadd.s32 $0xFFFFFF80  }
0x36: {  	_ =	swait.ge [sflag:s25], $0x80  }
0x37: {  	[sflag:s25] =	ssyncset.done $0x0  }
0x38: {  	[sflag:s25] =	ssyncadd.s32 $0xFFFFFF80  }
0x39: {  	v40 =	vld [tilespmem:$0x600];
	_ =	sdelay $0x4  }
0x3a: {  	vm0 =	veq.s32 v40, $0xFFF  }
0x3b: {  	v41 =	vimm.s32 $0x1;
	_ =	sdelay $0x2  }
0x3c: {  	v42 =	vimm.s32 $0xFFFFFFFF  }
0x3d: {  	s26 =	simm.s32 $0x700;
	[tilespmem:$0x700] =	vst v42  }
0x3e: {  	[tilespmem:v41+s26+$0x0] =	vst.idx.msk vm0, v0  }
0x3f: {  	v43 =	vld [tilespmem:$0x610];
	_ =	sdelay $0x4  }
0x40: {  	vm13 =	veq.s32 v43, $0xFFF;
	_ =	sdelay $0x4  }
0x41: {  	v1 =	vor.u32 $0x10, v0  }
0x42: {  	[tilespmem:v41+s26+$0x0] =	vst.idx.msk vm13, v1  }
0x43: {  	v44 =	vld [tilespmem:$0x620];
	_ =	sdelay $0x4  }
0x44: {  	vm14 =	veq.s32 v44, $0xFFF;
	_ =	sdelay $0x4  }
0x45: {  	v2 =	vor.u32 $0x20, v0  }
0x46: {  	[tilespmem:v41+s26+$0x0] =	vst.idx.msk vm14, v2  }
0x47: {  	v45 =	vld [tilespmem:$0x630];
	_ =	sdelay $0x4  }
0x48: {  	vm15 =	veq.s32 v45, $0xFFF;
	_ =	sdelay $0x4  }
0x49: {  	v3 =	vor.u32 $0x30, v0  }
0x4a: {  	s6 =	simm.s32 $0x1;
	[tilespmem:v41+s26+$0x0] =	vst.idx.msk vm15, v3  }
0x4b: {  	v4 =	vld.idx.msk [tilespmem:v41+s26+$0x0], $0xffff;
	_ =	swait.ge [sflag:s6], $0x80  }
0x4c: {  	[sflag:s6] =	ssyncset.done $0x0  }
0x4d: {  	[sflag:s6] =	ssyncadd.s32 $0xFFFFFF80  }
0x4e: {  	_ =	swait.ge [sflag:s6], $0x80  }
0x4f: {  	[sflag:s6] =	ssyncset.done $0x0  }
0x50: {  	[sflag:s6] =	ssyncadd.s32 $0xFFFFFF80  }
0x51: {  	_ =	swait.ge [sflag:s6], $0x80  }
0x52: {  	[sflag:s6] =	ssyncset.done $0x0  }
0x53: {  	[sflag:s6] =	ssyncadd.s32 $0xFFFFFF80  }
0x54: {  	v46 =	vxor.u32 $0x80000000, v4;
	_ =	swait.ge [sflag:s6], $0x80  }
0x55: {  	(xrf0) =	vmax.scan.msk.u32 $0xffff, v46;
	_ =	sdelay $0x5  }
0x56: {  	v5, _, _ =	vpop (xrf0)  }
0x57: {  	(v2sf) =	vpush v5, $0xF;
	_ =	sdelay $0xe  }
0x58: {  	s28 =	spop (v2sf)  }
0x59: {  	p0 =	sgt.s32 s28, $0xFFFFFFFF  }
0x5a: {  	vm0 =	vgt.s32 @!p0 v4, $0x0  }
0x5b: {  	v4 =	vnsel @!p0 vm0, $0x0, v4  }
0x5c: {  	v5 =	vshll.u32 @!p0 v4, $0xC;
	v4 =	vshll.u32 @!p0 v4, $0x7  }
0x5d: {  	v5 =	vand.u32 @!p0 $0xFFFF8000, v5;
	v4 =	vand.u32 @!p0 $0x380, v4  }
0x5e: {  	s10 =	sshll.u32 @!p0 s1, $0xB;
	v4 =	vor.u32 @!p0 v4, v5  }
0x5f: {  	[sflag:s6] =	ssyncset.done $0x0;
	v7 =	vor.u32 @!p0 $0x40, v0;
	s5 =	sshll.u32 @!p0 s5, $0x3;
	v5 =	vor.u32 @!p0 s10, v4  }
0x60: {  	[sflag:s6] =	ssyncadd.s32 $0xFFFFFF80;
	v8 =	vor.u32 @!p0 $0x50, v0;
	v4 =	vor.u32 @!p0 s5, v4;
	v6 =	vor.u32 @!p0 v0, v5  }
0x61: {  	v9 =	vor.u32 @!p0 $0x60, v0;
	v10 =	vor.u32 @!p0 $0x70, v0;
	v0 =	vor.u32 @!p0 v0, v4;
	[tilespmem:$0x200] =	vst @!p0 v6  }
0x62: {  	v6 =	vor.u32 @!p0 v1, v5;
	[tilespmem:$0x280] =	vst @!p0 v0  }
0x63: {  	v0 =	vor.u32 @!p0 v1, v4;
	[tilespmem:$0x210] =	vst @!p0 v6  }
0x64: {  	v6 =	vor.u32 @!p0 v2, v5;
	[tilespmem:$0x290] =	vst @!p0 v0  }
0x65: {  	v0 =	vor.u32 @!p0 v2, v4;
	[tilespmem:$0x220] =	vst @!p0 v6  }
0x66: {  	v6 =	vor.u32 @!p0 v3, v5;
	[tilespmem:$0x2A0] =	vst @!p0 v0  }
0x67: {  	v0 =	vor.u32 @!p0 v3, v4;
	[tilespmem:$0x230] =	vst @!p0 v6  }
0x68: {  	v6 =	vor.u32 @!p0 v7, v5;
	[tilespmem:$0x2B0] =	vst @!p0 v0  }
0x69: {  	v0 =	vor.u32 @!p0 v7, v4;
	[tilespmem:$0x240] =	vst @!p0 v6  }
0x6a: {  	v6 =	vor.u32 @!p0 v8, v5;
	[tilespmem:$0x2C0] =	vst @!p0 v0  }
0x6b: {  	v0 =	vor.u32 @!p0 v8, v4;
	[tilespmem:$0x250] =	vst @!p0 v6  }
0x6c: {  	v6 =	vor.u32 @!p0 v9, v5;
	[tilespmem:$0x2D0] =	vst @!p0 v0  }
0x6d: {  	v5 =	vor.u32 @!p0 v10, v5;
	[tilespmem:$0x260] =	vst @!p0 v6  }
0x6e: {  	v0 =	vor.u32 @!p0 v9, v4;
	[tilespmem:$0x270] =	vst @!p0 v5  }
0x6f: {  	[tilespmem:$0x2E0] =	vst @!p0 v0;
	v0 =	vor.u32 @!p0 v10, v4  }
0x70: {  	s5 =	simm.s32 @!p0 $0x200;
	[tilespmem:$0x2F0] =	vst @!p0 v0  }
0x71: {  	[tilespmem:s8], [sflag:$0x1] =	stream.indirect.gather @!p0 [hbm4b:s3+s7], $0x1, s5, s7, $0xb8;
	[tilespmem:$0x780] =	vst v63  }
0x72: {  	s5 =	simm.s32 @!p0 $0x280  }
0x73: {  	[tilespmem:s9], [sflag:$0x1] =	stream.indirect.gather @!p0 [hbm4b:s3+s7], $0x1, s5, s7, $0xb8;
	[tilespmem:$0x780] =	vst v63  }
0x74: {  	_ =	swait.ge @!p0 [sflag:s6], $0x80  }
0x75: {  	[sflag:s6] =	ssyncset.done @!p0 $0x0  }
0x76: {  	[sflag:s6] =	ssyncadd.s32 @!p0 $0xFFFFFF80  }
0x77: {  	_ =	swait.ge @!p0 [sflag:s6], $0x80  }
0x78: {  	[sflag:s6] =	ssyncset.done @!p0 $0x0  }
0x79: {  	[sflag:s6] =	ssyncadd.s32 @!p0 $0xFFFFFF80  }
0x7a: {  	v0 =	vld [tilespmem:$0x680]  }
0x7b: {  	v1 =	vld [tilespmem:$0x690]  }
0x7c: {  	v47 =	vld [tilespmem:$0x300]  }
0x7d: {  	v48 =	vld [tilespmem:$0x400]  }
0x7e: {  	v49 =	vld [tilespmem:$0x310]  }
0x7f: {  	v50 =	vld [tilespmem:$0x410]  }
0x80: {  	v51 =	vld [tilespmem:$0x320]  }
0x81: {  	v52 =	vld [tilespmem:$0x420]  }
0x82: {  	v53 =	vld [tilespmem:$0x330]  }
0x83: {  	v54 =	vld [tilespmem:$0x430]  }
0x84: {  	v55 =	vld [tilespmem:$0x340]  }
0x85: {  	v11 =	vld [tilespmem:$0x440]  }
0x86: {  	v12 =	vld [tilespmem:$0x350]  }
0x87: {  	v13 =	vld [tilespmem:$0x450]  }
0x88: {  	v14 =	vld [tilespmem:$0x360]  }
0x89: {  	v15 =	vld [tilespmem:$0x460]  }
0x8a: {  	v16 =	vld [tilespmem:$0x370]  }
0x8b: {  	v17 =	vld [tilespmem:$0x470]  }
0x8c: {  	v18 =	vld [tilespmem:$0x380]  }
0x8d: {  	v19 =	vld [tilespmem:$0x480]  }
0x8e: {  	v20 =	vld [tilespmem:$0x390]  }
0x8f: {  	v21 =	vld [tilespmem:$0x490]  }
0x90: {  	v22 =	vld [tilespmem:$0x3A0]  }
0x91: {  	v23 =	vld [tilespmem:$0x4A0];
	v2 =	vmul.f32 v47, v0;
	v3 =	vmul.f32 v48, v1  }
0x92: {  	v24 =	vld [tilespmem:$0x3B0];
	v4 =	vmul.f32 v49, v0;
	v5 =	vmul.f32 v50, v1  }
0x93: {  	v58 =	vld [tilespmem:$0x4B0];
	v56 =	vmul.f32 v51, v0;
	v57 =	vmul.f32 v52, v1;
	v2 =	vadd.f32 v3, v2  }
0x94: {  	v61 =	vld [tilespmem:$0x3C0];
	v59 =	vmul.f32 v53, v0;
	v60 =	vmul.f32 v54, v1;
	v4 =	vadd.f32 v5, v4  }
0x95: {  	v26 =	vld [tilespmem:$0x4C0];
	v63 =	vmul.f32 v55, v0;
	v25 =	vmul.f32 v11, v1;
	v62 =	vadd.f32 v57, v56;
	[tilespmem:$0x500] =	vst v2  }
0x96: {  	v30 =	vld [tilespmem:$0x3D0];
	v28 =	vmul.f32 v12, v0;
	v29 =	vmul.f32 v13, v1;
	v27 =	vadd.f32 v60, v59;
	[tilespmem:$0x510] =	vst v4  }
0x97: {  	v34 =	vld [tilespmem:$0x4D0];
	v32 =	vmul.f32 v14, v0;
	v33 =	vmul.f32 v15, v1;
	v31 =	vadd.f32 v25, v63;
	[tilespmem:$0x520] =	vst v62  }
0x98: {  	v38 =	vld [tilespmem:$0x3E0];
	v36 =	vmul.f32 v16, v0;
	v37 =	vmul.f32 v17, v1;
	v35 =	vadd.f32 v29, v28;
	[tilespmem:$0x530] =	vst v27  }
0x99: {  	v42 =	vld [tilespmem:$0x4E0];
	v40 =	vmul.f32 v18, v0;
	v41 =	vmul.f32 v19, v1;
	v39 =	vadd.f32 v33, v32;
	[tilespmem:$0x540] =	vst v31  }
0x9a: {  	v46 =	vld [tilespmem:$0x3F0];
	v44 =	vmul.f32 v20, v0;
	v45 =	vmul.f32 v21, v1;
	v43 =	vadd.f32 v37, v36;
	[tilespmem:$0x550] =	vst v35  }
0x9b: {  	v48 =	vmul.f32 v22, v0;
	v49 =	vmul.f32 v23, v1;
	v50 =	vld [tilespmem:$0x4F0];
	v47 =	vadd.f32 v41, v40;
	[tilespmem:$0x560] =	vst v39  }
0x9c: {  	v52 =	vmul.f32 v24, v0;
	v7 =	vmul.f32 v58, v1;
	v51 =	vadd.f32 v45, v44;
	[tilespmem:$0x570] =	vst v43  }
0x9d: {  	v54 =	vmul.f32 v61, v0;
	v55 =	vmul.f32 v26, v1;
	v53 =	vadd.f32 v49, v48;
	[tilespmem:$0x580] =	vst v47  }
0x9e: {  	v58 =	vmul.f32 v34, v1;
	v56 =	vadd.f32 v7, v52;
	v57 =	vmul.f32 v30, v0;
	[tilespmem:$0x590] =	vst v51  }
0x9f: {  	v61 =	vmul.f32 v42, v1;
	v59 =	vadd.f32 v55, v54;
	v60 =	vmul.f32 v38, v0;
	[tilespmem:$0x5A0] =	vst v53  }
0xa0: {  	v0 =	vmul.f32 v46, v0;
	[tilespmem:$0x5B0] =	vst v56;
	v62 =	vadd.f32 v58, v57;
	v1 =	vmul.f32 v50, v1  }
0xa1: {  	[tilespmem:$0x5C0] =	vst v59;
	v63 =	vadd.f32 v61, v60  }
0xa2: {  	[tilespmem:$0x5D0] =	vst v62;
	v0 =	vadd.f32 v1, v0  }
0xa3: {  	s29 =	sshll.u32 s1, $0x5;
	[tilespmem:$0x5E0] =	vst v63  }
0xa4: {  	s30 =	simm.s32 $0x500;
	s31 =	simm.s32 $0x3;
	s4 =	sadd.s32 s4, s29;
	[tilespmem:$0x5F0] =	vst v0  }
0xa5: {  	[hbm4b:s4+s2] =	stream.linear.scatter [tilespmem:s30], [sflag:$0x3], $0x100, $0x38;
	[tilespmem:$0x780] =	vst v63  }
0xa6: {  	_ =	swait.ge [sflag:s31], $0x100  }
0xa7: {  	[sflag:s31] =	ssyncset.done $0x0  }
0xa8: {  	[sflag:s31] =	ssyncadd.s32 $0xFFFFFF00  }
0xa9: {  	_ =	sfence.sel $0x180000  }
0xaa: {  	[bflag:$0x0] =	sbarrier.arrive $0xFFFF  }
0xab: {  	p0 =	sne.s32 s1, $0x0;
	_ =	strace $0x90000047  }
0xac: {  	s0 =	sadd.s32 @!p0 $0x100000, s0;
	[bflag:$0x2] =	sbarrier.arrive $0xFFFF  }
0xad: {  	[sflag:s0] =	ssyncadd.tile.s32 @!p0 $0x1;
	_ =	shalt  }
.Lfunc_end2:
_tile_overlayer_lowered:
.L_overlay_start_2:
0xae: {  	(tag) =	ssettag $0x2  }
0xaf: {  	s0 =	rddreg [dreg:$0x0];
	s2 =	stileid.u32  }
0xb0: {  	s1 =	rddreg [dreg:$0x1];
	p0 =	sne.s32 s2, $0x0  }
0xb1: {  	s3 =	rddreg [dreg:$0x2];
	[bflag:$0x3] =	sbarrier.arrive $0xFFFF;
	s2 =	simm.s32 @!p0 $0x1C03  }
0xb2: {  	[timem:s3], [sflag:s2] =	dma.local @!p0 [hbm:s0], s1  }
0xb3: {  	s0 =	simm.s32 @!p0 $0x3  }
0xb4: {  	_ =	swait.ge @!p0 [sflag:s0], s1  }
0xb5: {  	s1 =	ssub.s32 @!p0 $0x0, s1;
	[sflag:s0] =	ssyncset.done @!p0 $0x0  }
0xb6: {  	[sflag:s0] =	ssyncadd.s32 @!p0 s1  }
0xb7: {  	[bflag:$0x3] =	sbarrier.arrive $0xFFFF  }
0xb8: {  	_ =	shalt  }

</sc_bundles>
